<compile_context>
chip_gen: v7x
topology: tpu7x:2x2x1
jax: 0.10.2.dev20260603
libtpu: 0.0.44.dev20260713+nightly
codegen_flags: <defaults>
</compile_context>

<pallas_src>
import functools

import jax
import jax.numpy as jnp
from jax import lax
from jax.experimental import pallas as pl
from jax.experimental.pallas import tpu as pltpu
from jax.experimental.pallas import tpu_sc as plsc

BS = 32
C = 64
T = 256
ED = 32
N = BS * C
CH = 64
NCHUNK = 2 * N // CH + C
S = NCHUNK * CH
NW = 32
TPW = N // NW


def _dot_t(a, b):
    return jax.lax.dot_general(a, b, (((1,), (1,)), ((), ())),
                               preferred_element_type=jnp.float32)


def _dot(a, b):
    return jax.lax.dot_general(a, b, (((1,), (0,)), ((), ())),
                               preferred_element_type=jnp.float32)



def _router_body(xl_ref, xr_ref, wp_ref, bp_ref, cen_ref, be_ref,
                 pos0_ref, pos1_ref, ce_ref, bias_ref):
    ids = jax.lax.broadcasted_iota(jnp.int32, (N, C), 1)
    xp = (_dot_t(xl_ref[...], wp_ref[:, :T]) + _dot_t(xr_ref[...], wp_ref[:, T:])
          + bp_ref[...])
    n = jnp.sqrt(jnp.sum(xp * xp, axis=-1, keepdims=True))
    xp = xp / jnp.maximum(n, 1e-12)
    cen = cen_ref[...]
    cn = jnp.sqrt(jnp.sum(cen * cen, axis=-1, keepdims=True))
    cen = cen / jnp.maximum(cn, 1e-12)
    sims = _dot_t(xp, cen)
    v1 = jnp.max(sims, axis=-1, keepdims=True)
    i1 = jnp.min(jnp.where(sims == v1, ids, C), axis=-1, keepdims=True)
    sims2 = jnp.where(ids == i1, -jnp.inf, sims)
    v2 = jnp.max(sims2, axis=-1, keepdims=True)
    i2 = jnp.min(jnp.where(sims2 == v2, ids, C), axis=-1, keepdims=True)
    g0 = jnp.where(ids == i1, 1.0, 0.0)
    g1 = jnp.where(ids == i2, 1.0, 0.0)

    bias_ref[...] = _dot(g0 + g1, be_ref[...])

    count0 = jnp.sum(g0, axis=0, keepdims=True)
    count1 = jnp.sum(g1, axis=0, keepdims=True)
    cnt = (count0 + count1).astype(jnp.int32)
    nch = (cnt + (CH - 1)) // CH
    r_iota = jax.lax.broadcasted_iota(jnp.int32, (C, C), 0)
    c_iota = jax.lax.broadcasted_iota(jnp.int32, (C, C), 1)
    upper = jnp.where(r_iota < c_iota, 1.0, 0.0)
    cstart = _dot(nch.astype(jnp.float32), upper)
    start_row = cstart * float(CH)

    ch_iota = jax.lax.broadcasted_iota(jnp.int32, (NCHUNK, C), 0)
    ce_ref[...] = (jnp.sum(jnp.where(cstart.astype(jnp.int32) <= ch_iota, 1, 0),
                           axis=1, keepdims=True) - 1)

    B = 128
    rl = jax.lax.broadcasted_iota(jnp.int32, (B, B), 0)
    cl = jax.lax.broadcasted_iota(jnp.int32, (B, B), 1)
    lower = jnp.where(cl < rl, 1.0, 0.0)
    off0 = jnp.zeros((1, C), jnp.float32)
    off1 = count0
    for b in range(N // B):
        sl = slice(b * B, (b + 1) * B)
        g0b = g0[sl]
        g1b = g1[sl]
        intra0 = _dot(lower, g0b)
        intra1 = _dot(lower, g1b)
        p0 = jnp.sum((start_row + off0 + intra0) * g0b, axis=1, keepdims=True)
        p1 = jnp.sum((start_row + off1 + intra1) * g1b, axis=1, keepdims=True)
        pos0_ref[sl] = p0.astype(jnp.int32)
        pos1_ref[sl] = p1.astype(jnp.int32)
        off0 = off0 + jnp.sum(g0b, axis=0, keepdims=True)
        off1 = off1 + jnp.sum(g1b, axis=0, keepdims=True)


def _run_router(xl, xr, W_proj, b_proj, expert_centers, b_experts):
    full = lambda shape: pl.BlockSpec(shape, lambda: (0,) * len(shape))
    return pl.pallas_call(
        _router_body,
        in_specs=[full((N, T)), full((N, T)), full((ED, 2 * T)),
                  full((1, ED)), full((C, ED)), full((C, T))],
        out_specs=[full((N, 1)), full((N, 1)), full((NCHUNK, 1)),
                   full((N, T))],
        out_shape=[jax.ShapeDtypeStruct((N, 1), jnp.int32),
                   jax.ShapeDtypeStruct((N, 1), jnp.int32),
                   jax.ShapeDtypeStruct((NCHUNK, 1), jnp.int32),
                   jax.ShapeDtypeStruct((N, T), jnp.float32)],
    )(xl, xr, W_proj, b_proj.reshape(1, ED), expert_centers, b_experts)



def _sc_scatter_rows(xl, xr, pos0, pos1):
    mesh = plsc.VectorSubcoreMesh(core_axis_name="c", subcore_axis_name="s")

    @functools.partial(
        pl.kernel, mesh=mesh,
        out_type=[jax.ShapeDtypeStruct((S, T), jnp.float32),
                  jax.ShapeDtypeStruct((S, T), jnp.float32)],
        scratch_types=[pltpu.VMEM((TPW,), jnp.int32),
                       pltpu.VMEM((TPW,), jnp.int32),
                       pltpu.VMEM((TPW, T), jnp.float32),
                       pltpu.VMEM((TPW, T), jnp.float32),
                       pltpu.SemaphoreType.DMA],
    )
    def k(xl_hbm, xr_hbm, p0_hbm, p1_hbm, sl_hbm, sr_hbm,
          p0_v, p1_v, rl_v, rr_v, sem):
        wid = lax.axis_index("s") * 2 + lax.axis_index("c")
        base = wid * TPW
        pltpu.sync_copy(p0_hbm.at[pl.ds(base, TPW)], p0_v)
        pltpu.sync_copy(p1_hbm.at[pl.ds(base, TPW)], p1_v)
        pltpu.sync_copy(xl_hbm.at[pl.ds(base, TPW)], rl_v)
        pltpu.sync_copy(xr_hbm.at[pl.ds(base, TPW)], rr_v)
        pltpu.async_copy(rl_v, sl_hbm.at[p0_v], sem).wait()
        pltpu.async_copy(rl_v, sl_hbm.at[p1_v], sem).wait()
        pltpu.async_copy(rr_v, sr_hbm.at[p0_v], sem).wait()
        pltpu.async_copy(rr_v, sr_hbm.at[p1_v], sem).wait()

    return k(xl, xr, pos0, pos1)



def _grouped_body(ce_ref, sxl_ref, sxr_ref, we_ref, yl_ref, yr_ref):
    i = pl.program_id(0)
    e = ce_ref[i, 0]
    w = we_ref[e]
    yl_ref[...] = _dot_t(sxl_ref[...], w)
    yr_ref[...] = _dot_t(sxr_ref[...], w)


def _run_grouped(sorted_l, sorted_r, chunk_expert, W_experts):
    return pl.pallas_call(
        _grouped_body,
        grid=(NCHUNK,),
        in_specs=[
            pl.BlockSpec(memory_space=pltpu.SMEM),
            pl.BlockSpec((CH, T), lambda i: (i, 0)),
            pl.BlockSpec((CH, T), lambda i: (i, 0)),
            pl.BlockSpec((C, T, T), lambda i: (0, 0, 0)),
        ],
        out_specs=[pl.BlockSpec((CH, T), lambda i: (i, 0)),
                   pl.BlockSpec((CH, T), lambda i: (i, 0))],
        out_shape=[jax.ShapeDtypeStruct((S, T), jnp.float32),
                   jax.ShapeDtypeStruct((S, T), jnp.float32)],
    )(chunk_expert, sorted_l, sorted_r, W_experts)



def _sc_gather_combine(yl, yr, pos0, pos1):
    mesh = plsc.VectorSubcoreMesh(core_axis_name="c", subcore_axis_name="s")

    @functools.partial(
        pl.kernel, mesh=mesh,
        out_type=[jax.ShapeDtypeStruct((N, T), jnp.float32),
                  jax.ShapeDtypeStruct((N, T), jnp.float32)],
        scratch_types=[pltpu.VMEM((TPW,), jnp.int32),
                       pltpu.VMEM((TPW,), jnp.int32),
                       pltpu.VMEM((TPW, T), jnp.float32),
                       pltpu.VMEM((TPW, T), jnp.float32),
                       pltpu.SemaphoreType.DMA],
    )
    def k(yl_hbm, yr_hbm, p0_hbm, p1_hbm, cl_hbm, cr_hbm,
          p0_v, p1_v, a_v, b_v, sem):
        wid = lax.axis_index("s") * 2 + lax.axis_index("c")
        base = wid * TPW
        pltpu.sync_copy(p0_hbm.at[pl.ds(base, TPW)], p0_v)
        pltpu.sync_copy(p1_hbm.at[pl.ds(base, TPW)], p1_v)
        for y_hbm, c_hbm in ((yl_hbm, cl_hbm), (yr_hbm, cr_hbm)):
            pltpu.async_copy(y_hbm.at[p0_v], a_v, sem).wait()
            pltpu.async_copy(y_hbm.at[p1_v], b_v, sem).wait()

            def add_row(i):
                for kk in range(T // 16):
                    csl = pl.ds(kk * 16, 16)
                    a_v[i, csl] = a_v[i, csl] + b_v[i, csl]

            pl.loop(0, TPW)(add_row)
            pltpu.sync_copy(a_v, c_hbm.at[pl.ds(base, TPW)])

    return k(yl, yr, pos0, pos1)



def _ln_body(cl_ref, cr_ref, bias_ref, xl_ref, xr_ref,
             lls_ref, llb_ref, lrs_ref, lrb_ref, ol_ref, or_ref):
    bias = bias_ref[...]
    for c_ref, x_ref, s_ref, b_ref, o_ref in (
            (cl_ref, xl_ref, lls_ref, llb_ref, ol_ref),
            (cr_ref, xr_ref, lrs_ref, lrb_ref, or_ref)):
        a = c_ref[...] + bias
        mu = jnp.mean(a, axis=-1, keepdims=True)
        d = a - mu
        var = jnp.mean(d * d, axis=-1, keepdims=True)
        o_ref[...] = (d * jax.lax.rsqrt(var + 1e-5) * s_ref[...]
                      + b_ref[...] + x_ref[...])


def _run_ln(comb_l, comb_r, bias, xl, xr, lls, llb, lrs, lrb):
    full = lambda shape: pl.BlockSpec(shape, lambda: (0,) * len(shape))
    return pl.pallas_call(
        _ln_body,
        in_specs=[full((N, T))] * 5 + [full((1, T))] * 4,
        out_specs=[full((N, T)), full((N, T))],
        out_shape=[jax.ShapeDtypeStruct((N, T), jnp.float32),
                   jax.ShapeDtypeStruct((N, T), jnp.float32)],
    )(comb_l, comb_r, bias, xl, xr,
      lls.reshape(1, T), llb.reshape(1, T), lrs.reshape(1, T),
      lrb.reshape(1, T))


def kernel(x_l, x_r, W_proj, b_proj, expert_centers, W_experts, b_experts,
           ln_l_scale, ln_l_bias, ln_r_scale, ln_r_bias):
    xl = x_l.reshape(N, T)
    xr = x_r.reshape(N, T)
    pos0, pos1, chunk_expert, bias = _run_router(
        xl, xr, W_proj, b_proj, expert_centers, b_experts)
    pos0 = pos0.reshape(N)
    pos1 = pos1.reshape(N)
    sorted_l, sorted_r = _sc_scatter_rows(xl, xr, pos0, pos1)
    out_l = sorted_l[:N] + bias
    out_r = sorted_r[:N] + bias
    return (out_l.reshape(BS, C, T), out_r.reshape(BS, C, T))

# --- scband reference (transcript-rebuilt; emitter-appended) ---
"""Pipeline reference for scband-sgmo-eblock-8770323218990 (READ-ONLY COPY).

The authoritative reference and input builder live on the scoring server;
editing this copy changes nothing except your own understanding.
"""

import jax, jax.numpy as jnp
import numpy as np

BS = 32
C = 64       # channels == number of experts
T = 256      # time_dim
ED = 32      # expert_dim
TOPK = 2


def _layer_norm(x, scale, bias, eps=1e-5):
    mu = jnp.mean(x, axis=-1, keepdims=True)
    var = jnp.var(x, axis=-1, keepdims=True)
    return (x - mu) / jnp.sqrt(var + eps) * scale + bias


def _normalize(x, eps=1e-12):
    n = jnp.linalg.norm(x, ord=2, axis=-1, keepdims=True)
    return x / jnp.clip(n, eps, None)


def setup_inputs(seed: int = 0) -> dict:
    key = jax.random.key(seed)
    ks = jax.random.split(key, 10)
    x_l = jax.random.normal(ks[0], (BS, C, T), dtype=jnp.float32)
    x_r = jax.random.normal(ks[1], (BS, C, T), dtype=jnp.float32)
    # router params: projection Linear(2*T -> ED), expert centers (C, ED)
    W_proj = jax.random.normal(ks[2], (ED, 2 * T), dtype=jnp.float32) / np.sqrt(2 * T)
    b_proj = jax.random.normal(ks[3], (ED,), dtype=jnp.float32) * 0.01
    expert_centers = jax.random.normal(ks[4], (C, ED), dtype=jnp.float32)
    # C experts, each a Linear(T -> T) (torch convention: y = x @ W.T + b)
    W_experts = jax.random.normal(ks[5], (C, T, T), dtype=jnp.float32) / np.sqrt(T)
    b_experts = jax.random.normal(ks[6], (C, T), dtype=jnp.float32) * 0.01
    ln_l_scale = jnp.ones((T,), dtype=jnp.float32)
    ln_l_bias = jnp.zeros((T,), dtype=jnp.float32)
    ln_r_scale = jnp.ones((T,), dtype=jnp.float32)
    ln_r_bias = jnp.zeros((T,), dtype=jnp.float32)
    return {
        "x_l": x_l, "x_r": x_r,
        "W_proj": W_proj, "b_proj": b_proj,
        "expert_centers": expert_centers,
        "W_experts": W_experts, "b_experts": b_experts,
        "ln_l_scale": ln_l_scale, "ln_l_bias": ln_l_bias,
        "ln_r_scale": ln_r_scale, "ln_r_bias": ln_r_bias,
    }


def reference(x_l, x_r, W_proj, b_proj, expert_centers, W_experts, b_experts,
              ln_l_scale, ln_l_bias, ln_r_scale, ln_r_bias):
    # --- router ---
    x = jnp.concatenate([x_l, x_r], axis=2)              # (bs, c, 2t)
    x_proj = jnp.einsum('bct,et->bce', x, W_proj) + b_proj  # (bs, c, ED)
    x_proj = _normalize(x_proj)
    centers = _normalize(expert_centers)                 # (C, ED)
    cosine_sim = jnp.einsum('bce,ke->bck', x_proj, centers)  # (bs, c, C)
    topk_probs, topk_idx = jax.lax.top_k(cosine_sim, TOPK)   # (bs, c, k)
    topk_probs = jax.nn.softmax(topk_probs, axis=-1)

    # --- expert dispatch (dense loop over experts; experts with empty mask
    # contribute exactly zero, matching the torch.unique loop) ---
    output_l = jnp.zeros_like(x_l)
    output_r = jnp.zeros_like(x_r)
    for e in range(C):
        mask = jnp.any(topk_idx == e, axis=-1)[..., None].astype(x_l.dtype)  # (bs, c, 1)
        gate = jnp.sum(topk_probs * mask, axis=-1, keepdims=True)            # (bs, c, 1)
        sel_l = x_l * mask
        sel_r = x_r * mask
        eo_l = jnp.einsum('bct,ut->bcu', sel_l, W_experts[e]) + b_experts[e]
        eo_r = jnp.einsum('bct,ut->bcu', sel_r, W_experts[e]) + b_experts[e]
        output_l = output_l + gate * eo_l
        output_r = output_r + gate * eo_r

    output_l = _layer_norm(output_l, ln_l_scale, ln_l_bias) + x_l
    output_r = _layer_norm(output_r, ln_r_scale, ln_r_bias) + x_r
    return (output_l, output_r)


if False:  # reference __main__ guard neutralized (emitter)
    inp = setup_inputs()
    out_l, out_r = reference(**inp)
    print(out_l.shape, out_r.shape)

if __name__ == "__main__":
    import jax
    _d = setup_inputs()
    print(jax.jit(kernel)(*tuple(_d.values())))

</pallas_src>

<mosaic_0001>
#map = affine_map<(d0, d1) -> (0, 0)>
#map1 = affine_map<(d0, d1) -> (0)>
module attributes {stable_mosaic.version = 14 : i64} {
  func.func @k(%arg0: i32, %arg1: i32, %arg2: memref<2048x256xf32, #tpu.memory_space<hbm>>, %arg3: memref<2048x256xf32, #tpu.memory_space<hbm>>, %arg4: memref<2048xi32, #tpu.memory_space<hbm>>, %arg5: memref<2048xi32, #tpu.memory_space<hbm>>, %arg6: memref<8192x256xf32, #tpu.memory_space<hbm>>, %arg7: memref<8192x256xf32, #tpu.memory_space<hbm>>, %arg8: memref<64xi32, #tpu.memory_space<vmem>>, %arg9: memref<64xi32, #tpu.memory_space<vmem>>, %arg10: memref<64x256xf32, #tpu.memory_space<vmem>>, %arg11: memref<64x256xf32, #tpu.memory_space<vmem>>, %arg12: memref<!tpu.dma_semaphore, #tpu.memory_space<semaphore_mem>>) attributes {dimension_semantics = [#tpu.dimension_semantics<core_parallel>, #tpu.dimension_semantics<subcore_parallel>], iteration_bounds = array<i64: 2, 16>, scalar_prefetch = 0 : i64, scratch_operands = 5 : i64, tpu.core_type = #tpu.core_type<sc_vector_subcore>, window_params = [{transform_indices = #map}, {transform_indices = #map}, {transform_indices = #map1}, {transform_indices = #map1}, {transform_indices = #map}, {transform_indices = #map}]} {
    %mul3A = arith.constant 2 : i32
    %mul3A_0 = arith.muli %arg1, %mul3A : i32
    %add3A = arith.addi %mul3A_0, %arg0 : i32
    %mul3A_1 = arith.constant 64 : i32
    %mul3A_2 = arith.muli %add3A, %mul3A_1 : i32
    "tpu.region"() ({
      %run_scoped3A = tpu.sem_alloc : memref<!tpu.dma_semaphore, #tpu.memory_space<semaphore_mem>>
      %dma_start3A_25 = tpu.memref_slice %arg4[%mul3A_2] : memref<2048xi32, #tpu.memory_space<hbm>> -> memref<64xi32, #tpu.memory_space<hbm>>
      %dma_start3A_26 = tpu.memref_slice %arg4[%mul3A_2] : memref<2048xi32, #tpu.memory_space<hbm>> -> memref<64xi32, #tpu.memory_space<hbm>>
      tpu.enqueue_dma source(%dma_start3A_26 : memref<64xi32, #tpu.memory_space<hbm>>) target(%arg8 : memref<64xi32, #tpu.memory_space<vmem>>) target_semaphore(%run_scoped3A : memref<!tpu.dma_semaphore, #tpu.memory_space<semaphore_mem>>)
      %dma_wait3A_27 = tpu.memref_slice %arg4[%mul3A_2] : memref<2048xi32, #tpu.memory_space<hbm>> -> memref<64xi32, #tpu.memory_space<hbm>>
      %dma_wait3A_28 = tpu.memref_slice %arg4[%mul3A_2] : memref<2048xi32, #tpu.memory_space<hbm>> -> memref<64xi32, #tpu.memory_space<hbm>>
      tpu.wait_dma2 semaphore(%run_scoped3A : memref<!tpu.dma_semaphore, #tpu.memory_space<semaphore_mem>>) src(%dma_wait3A_28 : memref<64xi32, #tpu.memory_space<hbm>>) dst(%arg8 : memref<64xi32, #tpu.memory_space<vmem>>)
      tpu.yield
    }) : () -> ()
    "tpu.region"() ({
      %run_scoped3A = tpu.sem_alloc : memref<!tpu.dma_semaphore, #tpu.memory_space<semaphore_mem>>
      %dma_start3A_25 = tpu.memref_slice %arg5[%mul3A_2] : memref<2048xi32, #tpu.memory_space<hbm>> -> memref<64xi32, #tpu.memory_space<hbm>>
      %dma_start3A_26 = tpu.memref_slice %arg5[%mul3A_2] : memref<2048xi32, #tpu.memory_space<hbm>> -> memref<64xi32, #tpu.memory_space<hbm>>
      tpu.enqueue_dma source(%dma_start3A_26 : memref<64xi32, #tpu.memory_space<hbm>>) target(%arg9 : memref<64xi32, #tpu.memory_space<vmem>>) target_semaphore(%run_scoped3A : memref<!tpu.dma_semaphore, #tpu.memory_space<semaphore_mem>>)
      %dma_wait3A_27 = tpu.memref_slice %arg5[%mul3A_2] : memref<2048xi32, #tpu.memory_space<hbm>> -> memref<64xi32, #tpu.memory_space<hbm>>
      %dma_wait3A_28 = tpu.memref_slice %arg5[%mul3A_2] : memref<2048xi32, #tpu.memory_space<hbm>> -> memref<64xi32, #tpu.memory_space<hbm>>
      tpu.wait_dma2 semaphore(%run_scoped3A : memref<!tpu.dma_semaphore, #tpu.memory_space<semaphore_mem>>) src(%dma_wait3A_28 : memref<64xi32, #tpu.memory_space<hbm>>) dst(%arg9 : memref<64xi32, #tpu.memory_space<vmem>>)
      tpu.yield
    }) : () -> ()
    "tpu.region"() ({
      %run_scoped3A = tpu.sem_alloc : memref<!tpu.dma_semaphore, #tpu.memory_space<semaphore_mem>>
      %dma_start3A_25 = arith.constant 0 : i32
      %dma_start3A_26 = tpu.memref_slice %arg2[%mul3A_2, %dma_start3A_25] : memref<2048x256xf32, #tpu.memory_space<hbm>> -> memref<64x256xf32, #tpu.memory_space<hbm>>
      %dma_start3A_27 = arith.constant 0 : i32
      %dma_start3A_28 = tpu.memref_slice %arg2[%mul3A_2, %dma_start3A_27] : memref<2048x256xf32, #tpu.memory_space<hbm>> -> memref<64x256xf32, #tpu.memory_space<hbm>>
      tpu.enqueue_dma source(%dma_start3A_28 : memref<64x256xf32, #tpu.memory_space<hbm>>) target(%arg10 : memref<64x256xf32, #tpu.memory_space<vmem>>) target_semaphore(%run_scoped3A : memref<!tpu.dma_semaphore, #tpu.memory_space<semaphore_mem>>)
      %dma_wait3A_29 = arith.constant 0 : i32
      %dma_wait3A_30 = tpu.memref_slice %arg2[%mul3A_2, %dma_wait3A_29] : memref<2048x256xf32, #tpu.memory_space<hbm>> -> memref<64x256xf32, #tpu.memory_space<hbm>>
      %dma_wait3A_31 = arith.constant 0 : i32
      %dma_wait3A_32 = tpu.memref_slice %arg2[%mul3A_2, %dma_wait3A_31] : memref<2048x256xf32, #tpu.memory_space<hbm>> -> memref<64x256xf32, #tpu.memory_space<hbm>>
      tpu.wait_dma2 semaphore(%run_scoped3A : memref<!tpu.dma_semaphore, #tpu.memory_space<semaphore_mem>>) src(%dma_wait3A_32 : memref<64x256xf32, #tpu.memory_space<hbm>>) dst(%arg10 : memref<64x256xf32, #tpu.memory_space<vmem>>)
      tpu.yield
    }) : () -> ()
    "tpu.region"() ({
      %run_scoped3A = tpu.sem_alloc : memref<!tpu.dma_semaphore, #tpu.memory_space<semaphore_mem>>
      %dma_start3A_25 = arith.constant 0 : i32
      %dma_start3A_26 = tpu.memref_slice %arg3[%mul3A_2, %dma_start3A_25] : memref<2048x256xf32, #tpu.memory_space<hbm>> -> memref<64x256xf32, #tpu.memory_space<hbm>>
      %dma_start3A_27 = arith.constant 0 : i32
      %dma_start3A_28 = tpu.memref_slice %arg3[%mul3A_2, %dma_start3A_27] : memref<2048x256xf32, #tpu.memory_space<hbm>> -> memref<64x256xf32, #tpu.memory_space<hbm>>
      tpu.enqueue_dma source(%dma_start3A_28 : memref<64x256xf32, #tpu.memory_space<hbm>>) target(%arg11 : memref<64x256xf32, #tpu.memory_space<vmem>>) target_semaphore(%run_scoped3A : memref<!tpu.dma_semaphore, #tpu.memory_space<semaphore_mem>>)
      %dma_wait3A_29 = arith.constant 0 : i32
      %dma_wait3A_30 = tpu.memref_slice %arg3[%mul3A_2, %dma_wait3A_29] : memref<2048x256xf32, #tpu.memory_space<hbm>> -> memref<64x256xf32, #tpu.memory_space<hbm>>
      %dma_wait3A_31 = arith.constant 0 : i32
      %dma_wait3A_32 = tpu.memref_slice %arg3[%mul3A_2, %dma_wait3A_31] : memref<2048x256xf32, #tpu.memory_space<hbm>> -> memref<64x256xf32, #tpu.memory_space<hbm>>
      tpu.wait_dma2 semaphore(%run_scoped3A : memref<!tpu.dma_semaphore, #tpu.memory_space<semaphore_mem>>) src(%dma_wait3A_32 : memref<64x256xf32, #tpu.memory_space<hbm>>) dst(%arg11 : memref<64x256xf32, #tpu.memory_space<vmem>>)
      tpu.yield
    }) : () -> ()
    %dma_start3A = arith.constant 0 : i32
    %dma_start3A_3 = arith.constant 0 : i32
    %dma_start3A_4 = tpu.memref_slice %arg6[%dma_start3A, %dma_start3A_3] : memref<8192x256xf32, #tpu.memory_space<hbm>> -> memref<8192x256xf32, #tpu.memory_space<hbm>>
    tpu.enqueue_indirect_dma source(%arg10 : memref<64x256xf32, #tpu.memory_space<vmem>>) target(%dma_start3A_4 : memref<8192x256xf32, #tpu.memory_space<hbm>>) offsets(%arg8 : memref<64xi32, #tpu.memory_space<vmem>>) semaphore(%arg12 : memref<!tpu.dma_semaphore, #tpu.memory_space<semaphore_mem>>)
    %dma_wait3A = arith.constant 0 : i32
    %dma_wait3A_5 = arith.constant 0 : i32
    %dma_wait3A_6 = tpu.memref_slice %arg6[%dma_wait3A, %dma_wait3A_5] : memref<8192x256xf32, #tpu.memory_space<hbm>> -> memref<8192x256xf32, #tpu.memory_space<hbm>>
    tpu.wait_indirect_dma semaphore(%arg12 : memref<!tpu.dma_semaphore, #tpu.memory_space<semaphore_mem>>) src(%arg10 : memref<64x256xf32, #tpu.memory_space<vmem>>) dst(%dma_wait3A_6 : memref<8192x256xf32, #tpu.memory_space<hbm>>)
    %dma_start3A_7 = arith.constant 0 : i32
    %dma_start3A_8 = arith.constant 0 : i32
    %dma_start3A_9 = tpu.memref_slice %arg6[%dma_start3A_7, %dma_start3A_8] : memref<8192x256xf32, #tpu.memory_space<hbm>> -> memref<8192x256xf32, #tpu.memory_space<hbm>>
    tpu.enqueue_indirect_dma source(%arg10 : memref<64x256xf32, #tpu.memory_space<vmem>>) target(%dma_start3A_9 : memref<8192x256xf32, #tpu.memory_space<hbm>>) offsets(%arg9 : memref<64xi32, #tpu.memory_space<vmem>>) semaphore(%arg12 : memref<!tpu.dma_semaphore, #tpu.memory_space<semaphore_mem>>)
    %dma_wait3A_10 = arith.constant 0 : i32
    %dma_wait3A_11 = arith.constant 0 : i32
    %dma_wait3A_12 = tpu.memref_slice %arg6[%dma_wait3A_10, %dma_wait3A_11] : memref<8192x256xf32, #tpu.memory_space<hbm>> -> memref<8192x256xf32, #tpu.memory_space<hbm>>
    tpu.wait_indirect_dma semaphore(%arg12 : memref<!tpu.dma_semaphore, #tpu.memory_space<semaphore_mem>>) src(%arg10 : memref<64x256xf32, #tpu.memory_space<vmem>>) dst(%dma_wait3A_12 : memref<8192x256xf32, #tpu.memory_space<hbm>>)
    %dma_start3A_13 = arith.constant 0 : i32
    %dma_start3A_14 = arith.constant 0 : i32
    %dma_start3A_15 = tpu.memref_slice %arg7[%dma_start3A_13, %dma_start3A_14] : memref<8192x256xf32, #tpu.memory_space<hbm>> -> memref<8192x256xf32, #tpu.memory_space<hbm>>
    tpu.enqueue_indirect_dma source(%arg11 : memref<64x256xf32, #tpu.memory_space<vmem>>) target(%dma_start3A_15 : memref<8192x256xf32, #tpu.memory_space<hbm>>) offsets(%arg8 : memref<64xi32, #tpu.memory_space<vmem>>) semaphore(%arg12 : memref<!tpu.dma_semaphore, #tpu.memory_space<semaphore_mem>>)
    %dma_wait3A_16 = arith.constant 0 : i32
    %dma_wait3A_17 = arith.constant 0 : i32
    %dma_wait3A_18 = tpu.memref_slice %arg7[%dma_wait3A_16, %dma_wait3A_17] : memref<8192x256xf32, #tpu.memory_space<hbm>> -> memref<8192x256xf32, #tpu.memory_space<hbm>>
    tpu.wait_indirect_dma semaphore(%arg12 : memref<!tpu.dma_semaphore, #tpu.memory_space<semaphore_mem>>) src(%arg11 : memref<64x256xf32, #tpu.memory_space<vmem>>) dst(%dma_wait3A_18 : memref<8192x256xf32, #tpu.memory_space<hbm>>)
    %dma_start3A_19 = arith.constant 0 : i32
    %dma_start3A_20 = arith.constant 0 : i32
    %dma_start3A_21 = tpu.memref_slice %arg7[%dma_start3A_19, %dma_start3A_20] : memref<8192x256xf32, #tpu.memory_space<hbm>> -> memref<8192x256xf32, #tpu.memory_space<hbm>>
    tpu.enqueue_indirect_dma source(%arg11 : memref<64x256xf32, #tpu.memory_space<vmem>>) target(%dma_start3A_21 : memref<8192x256xf32, #tpu.memory_space<hbm>>) offsets(%arg9 : memref<64xi32, #tpu.memory_space<vmem>>) semaphore(%arg12 : memref<!tpu.dma_semaphore, #tpu.memory_space<semaphore_mem>>)
    %dma_wait3A_22 = arith.constant 0 : i32
    %dma_wait3A_23 = arith.constant 0 : i32
    %dma_wait3A_24 = tpu.memref_slice %arg7[%dma_wait3A_22, %dma_wait3A_23] : memref<8192x256xf32, #tpu.memory_space<hbm>> -> memref<8192x256xf32, #tpu.memory_space<hbm>>
    tpu.wait_indirect_dma semaphore(%arg12 : memref<!tpu.dma_semaphore, #tpu.memory_space<semaphore_mem>>) src(%arg11 : memref<64x256xf32, #tpu.memory_space<vmem>>) dst(%dma_wait3A_24 : memref<8192x256xf32, #tpu.memory_space<hbm>>)
    return
  }
}

module attributes {stable_mosaic.version = 14 : i64} {
  func.func @_router_body(%arg0: memref<2048x256xf32, #tpu.memory_space<vmem>>, %arg1: memref<2048x256xf32, #tpu.memory_space<vmem>>, %arg2: memref<32x512xf32, #tpu.memory_space<vmem>>, %arg3: memref<1x32xf32, #tpu.memory_space<vmem>>, %arg4: memref<64x32xf32, #tpu.memory_space<vmem>>, %arg5: memref<64x256xf32, #tpu.memory_space<vmem>>, %arg6: memref<2048x1xi32, #tpu.memory_space<vmem>>, %arg7: memref<2048x1xi32, #tpu.memory_space<vmem>>, %arg8: memref<128x1xi32, #tpu.memory_space<vmem>>, %arg9: memref<2048x256xf32, #tpu.memory_space<vmem>>) attributes {dimension_semantics = [], scalar_prefetch = 0 : i64, scratch_operands = 0 : i64, tpu.core_type = #tpu.core_type<tc>} {
    %iota3A = tpu.iota {dimensions = array<i32: 1>} : vector<2048x64xi32>
    %get3A = arith.constant 0 : index
    %get3A_0 = arith.constant 0 : index
    %get3A_1 = vector.load %arg0[%get3A, %get3A_0] : memref<2048x256xf32, #tpu.memory_space<vmem>>, vector<2048x256xf32>
    %get3A_2 = arith.constant 0 : index
    %get3A_3 = arith.constant 0 : index
    %get3A_4 = vector.load %arg2[%get3A_2, %get3A_3] : memref<32x512xf32, #tpu.memory_space<vmem>>, vector<32x256xf32>
    %dot_general3A = arith.constant dense<0.000000e+00> : vector<2048x32xf32>
    %dot_general3A_5 = tpu.matmul %get3A_1, %get3A_4, %dot_general3A {dimension_numbers = #tpu.dot_dimension_numbers<[1], [1], [0], [0], [0, 0, 1, 0], [], []>, transpose_lhs_hint = false} : vector<2048x256xf32>, vector<32x256xf32>, vector<2048x32xf32> -> vector<2048x32xf32>
    %get3A_6 = arith.constant 0 : index
    %get3A_7 = arith.constant 0 : index
    %get3A_8 = vector.load %arg1[%get3A_6, %get3A_7] : memref<2048x256xf32, #tpu.memory_space<vmem>>, vector<2048x256xf32>
    %get3A_9 = arith.constant 0 : index
    %get3A_10 = arith.constant 256 : index
    %get3A_11 = vector.load %arg2[%get3A_9, %get3A_10] : memref<32x512xf32, #tpu.memory_space<vmem>>, vector<32x256xf32>
    %dot_general3A_12 = arith.constant dense<0.000000e+00> : vector<2048x32xf32>
    %dot_general3A_13 = tpu.matmul %get3A_8, %get3A_11, %dot_general3A_12 {dimension_numbers = #tpu.dot_dimension_numbers<[1], [1], [0], [0], [0, 0, 1, 0], [], []>, transpose_lhs_hint = false} : vector<2048x256xf32>, vector<32x256xf32>, vector<2048x32xf32> -> vector<2048x32xf32>
    %add3A = arith.addf %dot_general3A_5, %dot_general3A_13 : vector<2048x32xf32>
    %get3A_14 = arith.constant 0 : index
    %get3A_15 = arith.constant 0 : index
    %get3A_16 = vector.load %arg3[%get3A_14, %get3A_15] : memref<1x32xf32, #tpu.memory_space<vmem>>, vector<1x32xf32>
    %add3A_17 = vector.broadcast %get3A_16 : vector<1x32xf32> to vector<2048x32xf32>
    %add3A_18 = arith.addf %add3A, %add3A_17 : vector<2048x32xf32>
    %mul3A = arith.mulf %add3A_18, %add3A_18 : vector<2048x32xf32>
    %reduce_sum3A = arith.constant dense<0.000000e+00> : vector<2048xf32>
    %reduce_sum3A_19 = vector.multi_reduction <add>, %mul3A, %reduce_sum3A [1] : vector<2048x32xf32> to vector<2048xf32>
    %broadcast_in_dim3A = vector.shape_cast %reduce_sum3A_19 : vector<2048xf32> to vector<2048x1xf32>
    %sqrt3A = math.sqrt %broadcast_in_dim3A : vector<2048x1xf32>
    %max3A = arith.constant 9.99999996E-13 : f32
    %max3A_20 = vector.broadcast %max3A : f32 to vector<2048x1xf32>
    %max3A_21 = arith.maximumf %sqrt3A, %max3A_20 : vector<2048x1xf32>
    %div3A = vector.broadcast %max3A_21 : vector<2048x1xf32> to vector<2048x32xf32>
    %div3A_22 = arith.divf %add3A_18, %div3A : vector<2048x32xf32>
    %get3A_23 = arith.constant 0 : index
    %get3A_24 = arith.constant 0 : index
    %get3A_25 = vector.load %arg4[%get3A_23, %get3A_24] : memref<64x32xf32, #tpu.memory_space<vmem>>, vector<64x32xf32>
    %mul3A_26 = arith.mulf %get3A_25, %get3A_25 : vector<64x32xf32>
    %reduce_sum3A_27 = arith.constant dense<0.000000e+00> : vector<64xf32>
    %reduce_sum3A_28 = vector.multi_reduction <add>, %mul3A_26, %reduce_sum3A_27 [1] : vector<64x32xf32> to vector<64xf32>
    %broadcast_in_dim3A_29 = vector.shape_cast %reduce_sum3A_28 : vector<64xf32> to vector<64x1xf32>
    %sqrt3A_30 = math.sqrt %broadcast_in_dim3A_29 : vector<64x1xf32>
    %max3A_31 = arith.constant 9.99999996E-13 : f32
    %max3A_32 = vector.broadcast %max3A_31 : f32 to vector<64x1xf32>
    %max3A_33 = arith.maximumf %sqrt3A_30, %max3A_32 : vector<64x1xf32>
    %div3A_34 = vector.broadcast %max3A_33 : vector<64x1xf32> to vector<64x32xf32>
    %div3A_35 = arith.divf %get3A_25, %div3A_34 : vector<64x32xf32>
    %dot_general3A_36 = arith.constant dense<0.000000e+00> : vector<2048x64xf32>
    %dot_general3A_37 = tpu.matmul %div3A_22, %div3A_35, %dot_general3A_36 {dimension_numbers = #tpu.dot_dimension_numbers<[1], [1], [0], [0], [0, 0, 1, 0], [], []>, transpose_lhs_hint = false} : vector<2048x32xf32>, vector<64x32xf32>, vector<2048x64xf32> -> vector<2048x64xf32>
    %reduce_max3A = arith.constant dense<0xFF800000> : vector<2048xf32>
    %reduce_max3A_38 = vector.multi_reduction <maximumf>, %dot_general3A_37, %reduce_max3A [1] : vector<2048x64xf32> to vector<2048xf32>
    %broadcast_in_dim3A_39 = vector.shape_cast %reduce_max3A_38 : vector<2048xf32> to vector<2048x1xf32>
    %eq3A = vector.broadcast %broadcast_in_dim3A_39 : vector<2048x1xf32> to vector<2048x64xf32>
    %eq3A_40 = arith.cmpf oeq, %dot_general3A_37, %eq3A : vector<2048x64xf32>
    %jit3A = arith.constant 64 : i32
    %broadcast_in_dim3A_41 = vector.broadcast %jit3A : i32 to vector<2048x64xi32>
    %select_n3A = arith.select %eq3A_40, %iota3A, %broadcast_in_dim3A_41 : vector<2048x64xi1>, vector<2048x64xi32>
    %reduce_min3A = arith.constant dense<2147483647> : vector<2048xi32>
    %reduce_min3A_42 = vector.multi_reduction <minsi>, %select_n3A, %reduce_min3A [1] : vector<2048x64xi32> to vector<2048xi32>
    %broadcast_in_dim3A_43 = vector.shape_cast %reduce_min3A_42 : vector<2048xi32> to vector<2048x1xi32>
    %eq3A_44 = vector.broadcast %broadcast_in_dim3A_43 : vector<2048x1xi32> to vector<2048x64xi32>
    %eq3A_45 = arith.cmpi eq, %iota3A, %eq3A_44 : vector<2048x64xi32>
    %jit3A_46 = arith.constant 0xFF800000 : f32
    %broadcast_in_dim3A_47 = vector.broadcast %jit3A_46 : f32 to vector<2048x64xf32>
    %select_n3A_48 = arith.select %eq3A_45, %broadcast_in_dim3A_47, %dot_general3A_37 : vector<2048x64xi1>, vector<2048x64xf32>
    %reduce_max3A_49 = arith.constant dense<0xFF800000> : vector<2048xf32>
    %reduce_max3A_50 = vector.multi_reduction <maximumf>, %select_n3A_48, %reduce_max3A_49 [1] : vector<2048x64xf32> to vector<2048xf32>
    %broadcast_in_dim3A_51 = vector.shape_cast %reduce_max3A_50 : vector<2048xf32> to vector<2048x1xf32>
    %eq3A_52 = vector.broadcast %broadcast_in_dim3A_51 : vector<2048x1xf32> to vector<2048x64xf32>
    %eq3A_53 = arith.cmpf oeq, %select_n3A_48, %eq3A_52 : vector<2048x64xf32>
    %jit3A_54 = arith.constant 64 : i32
    %broadcast_in_dim3A_55 = vector.broadcast %jit3A_54 : i32 to vector<2048x64xi32>
    %select_n3A_56 = arith.select %eq3A_53, %iota3A, %broadcast_in_dim3A_55 : vector<2048x64xi1>, vector<2048x64xi32>
    %reduce_min3A_57 = arith.constant dense<2147483647> : vector<2048xi32>
    %reduce_min3A_58 = vector.multi_reduction <minsi>, %select_n3A_56, %reduce_min3A_57 [1] : vector<2048x64xi32> to vector<2048xi32>
    %broadcast_in_dim3A_59 = vector.shape_cast %reduce_min3A_58 : vector<2048xi32> to vector<2048x1xi32>
    %eq3A_60 = vector.broadcast %broadcast_in_dim3A_43 : vector<2048x1xi32> to vector<2048x64xi32>
    %eq3A_61 = arith.cmpi eq, %iota3A, %eq3A_60 : vector<2048x64xi32>
    %jit3A_62 = arith.constant 1.000000e+00 : f32
    %jit3A_63 = arith.constant 0.000000e+00 : f32
    %broadcast_in_dim3A_64 = vector.broadcast %jit3A_62 : f32 to vector<2048x64xf32>
    %broadcast_in_dim3A_65 = vector.broadcast %jit3A_63 : f32 to vector<2048x64xf32>
    %select_n3A_66 = arith.select %eq3A_61, %broadcast_in_dim3A_64, %broadcast_in_dim3A_65 : vector<2048x64xi1>, vector<2048x64xf32>
    %eq3A_67 = vector.broadcast %broadcast_in_dim3A_59 : vector<2048x1xi32> to vector<2048x64xi32>
    %eq3A_68 = arith.cmpi eq, %iota3A, %eq3A_67 : vector<2048x64xi32>
    %jit3A_69 = arith.constant 1.000000e+00 : f32
    %jit3A_70 = arith.constant 0.000000e+00 : f32
    %broadcast_in_dim3A_71 = vector.broadcast %jit3A_69 : f32 to vector<2048x64xf32>
    %broadcast_in_dim3A_72 = vector.broadcast %jit3A_70 : f32 to vector<2048x64xf32>
    %select_n3A_73 = arith.select %eq3A_68, %broadcast_in_dim3A_71, %broadcast_in_dim3A_72 : vector<2048x64xi1>, vector<2048x64xf32>
    %add3A_74 = arith.addf %select_n3A_66, %select_n3A_73 : vector<2048x64xf32>
    %get3A_75 = arith.constant 0 : index
    %get3A_76 = arith.constant 0 : index
    %get3A_77 = vector.load %arg5[%get3A_75, %get3A_76] : memref<64x256xf32, #tpu.memory_space<vmem>>, vector<64x256xf32>
    %dot_general3A_78 = arith.constant dense<0.000000e+00> : vector<2048x256xf32>
    %dot_general3A_79 = tpu.matmul %add3A_74, %get3A_77, %dot_general3A_78 {dimension_numbers = #tpu.dot_dimension_numbers<[1], [0], [0], [1], [0, 0, 1, 1], [], []>, transpose_lhs_hint = false} : vector<2048x64xf32>, vector<64x256xf32>, vector<2048x256xf32> -> vector<2048x256xf32>
    %swap3A = arith.constant 0 : index
    %swap3A_80 = arith.constant 0 : index
    %swap3A_81 = vector.load %arg9[%swap3A, %swap3A_80] : memref<2048x256xf32, #tpu.memory_space<vmem>>, vector<2048x256xf32>
    tpu.vector_store %arg9[%swap3A, %swap3A_80], %dot_general3A_79 {strides = array<i32>} : memref<2048x256xf32, #tpu.memory_space<vmem>>, vector<2048x256xf32>,
    %reduce_sum3A_82 = arith.constant dense<0.000000e+00> : vector<64xf32>
    %reduce_sum3A_83 = vector.multi_reduction <add>, %select_n3A_66, %reduce_sum3A_82 [0] : vector<2048x64xf32> to vector<64xf32>
    %broadcast_in_dim3A_84 = vector.shape_cast %reduce_sum3A_83 : vector<64xf32> to vector<1x64xf32>
    %reduce_sum3A_85 = arith.constant dense<0.000000e+00> : vector<64xf32>
    %reduce_sum3A_86 = vector.multi_reduction <add>, %select_n3A_73, %reduce_sum3A_85 [0] : vector<2048x64xf32> to vector<64xf32>
    %broadcast_in_dim3A_87 = vector.shape_cast %reduce_sum3A_86 : vector<64xf32> to vector<1x64xf32>
    %add3A_88 = arith.addf %broadcast_in_dim3A_84, %broadcast_in_dim3A_87 : vector<1x64xf32>
    %convert_element_type3A = arith.fptosi %add3A_88 : vector<1x64xf32> to vector<1x64xi32>
    %add3A_89 = arith.constant 63 : i32
    %add3A_90 = vector.broadcast %add3A_89 : i32 to vector<1x64xi32>
    %add3A_91 = arith.addi %convert_element_type3A, %add3A_90 : vector<1x64xi32>
    %jit3A_92 = arith.constant 64 : i32
    %div3A_93 = vector.broadcast %jit3A_92 : i32 to vector<1x64xi32>
    %div3A_94 = arith.divsi %add3A_91, %div3A_93 : vector<1x64xi32>
    %sign3A = arith.constant 0 : i32
    %sign3A_95 = vector.broadcast %sign3A : i32 to vector<1x64xi32>
    %sign3A_96 = arith.cmpi sgt, %add3A_91, %sign3A_95 : vector<1x64xi32>
    %sign3A_97 = arith.extui %sign3A_96 : vector<1x64xi1> to vector<1x64xi32>
    %sign3A_98 = arith.constant 0 : i32
    %sign3A_99 = vector.broadcast %sign3A_98 : i32 to vector<1x64xi32>
    %sign3A_100 = arith.cmpi slt, %add3A_91, %sign3A_99 : vector<1x64xi32>
    %sign3A_101 = arith.extui %sign3A_100 : vector<1x64xi1> to vector<1x64xi32>
    %sign3A_102 = arith.subi %sign3A_97, %sign3A_101 : vector<1x64xi32>
    %sign3A_103 = arith.constant 0 : i32
    %sign3A_104 = arith.cmpi sgt, %jit3A_92, %sign3A_103 : i32
    %sign3A_105 = arith.extui %sign3A_104 : i1 to i32
    %sign3A_106 = arith.constant 0 : i32
    %sign3A_107 = arith.cmpi slt, %jit3A_92, %sign3A_106 : i32
    %sign3A_108 = arith.extui %sign3A_107 : i1 to i32
    %sign3A_109 = arith.subi %sign3A_105, %sign3A_108 : i32
    %ne3A = vector.broadcast %sign3A_109 : i32 to vector<1x64xi32>
    %ne3A_110 = arith.cmpi ne, %sign3A_102, %ne3A : vector<1x64xi32>
    %rem3A = vector.broadcast %jit3A_92 : i32 to vector<1x64xi32>
    %rem3A_111 = arith.remsi %add3A_91, %rem3A : vector<1x64xi32>
    %ne3A_112 = arith.constant 0 : i32
    %ne3A_113 = vector.broadcast %ne3A_112 : i32 to vector<1x64xi32>
    %ne3A_114 = arith.cmpi ne, %rem3A_111, %ne3A_113 : vector<1x64xi32>
    %and3A = arith.andi %ne3A_110, %ne3A_114 : vector<1x64xi1>
    %sub3A = arith.constant 1 : i32
    %sub3A_115 = vector.broadcast %sub3A : i32 to vector<1x64xi32>
    %sub3A_116 = arith.subi %div3A_94, %sub3A_115 : vector<1x64xi32>
    %select_n3A_117 = arith.select %and3A, %sub3A_116, %div3A_94 : vector<1x64xi1>, vector<1x64xi32>
    %iota3A_118 = tpu.iota {dimensions = array<i32: 0>} : vector<64x64xi32>
    %iota3A_119 = tpu.iota {dimensions = array<i32: 1>} : vector<64x64xi32>
    %lt3A = arith.cmpi slt, %iota3A_118, %iota3A_119 : vector<64x64xi32>
    %jit3A_120 = arith.constant 1.000000e+00 : f32
    %jit3A_121 = arith.constant 0.000000e+00 : f32
    %broadcast_in_dim3A_122 = vector.broadcast %jit3A_120 : f32 to vector<64x64xf32>
    %broadcast_in_dim3A_123 = vector.broadcast %jit3A_121 : f32 to vector<64x64xf32>
    %select_n3A_124 = arith.select %lt3A, %broadcast_in_dim3A_122, %broadcast_in_dim3A_123 : vector<64x64xi1>, vector<64x64xf32>
    %convert_element_type3A_125 = arith.sitofp %select_n3A_117 : vector<1x64xi32> to vector<1x64xf32>
    %dot_general3A_126 = arith.constant dense<0.000000e+00> : vector<1x64xf32>
    %dot_general3A_127 = tpu.matmul %convert_element_type3A_125, %select_n3A_124, %dot_general3A_126 {dimension_numbers = #tpu.dot_dimension_numbers<[1], [0], [0], [1], [0, 0, 1, 1], [], []>, transpose_lhs_hint = false} : vector<1x64xf32>, vector<64x64xf32>, vector<1x64xf32> -> vector<1x64xf32>
    %mul3A_128 = arith.constant 6.400000e+01 : f32
    %mul3A_129 = vector.broadcast %mul3A_128 : f32 to vector<1x64xf32>
    %mul3A_130 = arith.mulf %dot_general3A_127, %mul3A_129 : vector<1x64xf32>
    %iota3A_131 = tpu.iota {dimensions = array<i32: 0>} : vector<128x64xi32>
    %convert_element_type3A_132 = arith.fptosi %dot_general3A_127 : vector<1x64xf32> to vector<1x64xi32>
    %le3A = vector.broadcast %convert_element_type3A_132 : vector<1x64xi32> to vector<128x64xi32>
    %le3A_133 = arith.cmpi sle, %le3A, %iota3A_131 : vector<128x64xi32>
    %jit3A_134 = arith.constant 1 : i32
    %jit3A_135 = arith.constant 0 : i32
    %broadcast_in_dim3A_136 = vector.broadcast %jit3A_134 : i32 to vector<128x64xi32>
    %broadcast_in_dim3A_137 = vector.broadcast %jit3A_135 : i32 to vector<128x64xi32>
    %select_n3A_138 = arith.select %le3A_133, %broadcast_in_dim3A_136, %broadcast_in_dim3A_137 : vector<128x64xi1>, vector<128x64xi32>
    %reduce_sum3A_139 = arith.constant dense<0> : vector<128xi32>
    %reduce_sum3A_140 = vector.multi_reduction <add>, %select_n3A_138, %reduce_sum3A_139 [1] : vector<128x64xi32> to vector<128xi32>
    %broadcast_in_dim3A_141 = vector.shape_cast %reduce_sum3A_140 : vector<128xi32> to vector<128x1xi32>
    %sub3A_142 = arith.constant 1 : i32
    %sub3A_143 = vector.broadcast %sub3A_142 : i32 to vector<128x1xi32>
    %sub3A_144 = arith.subi %broadcast_in_dim3A_141, %sub3A_143 : vector<128x1xi32>
    %swap3A_145 = arith.constant 0 : index
    %swap3A_146 = arith.constant 0 : index
    %swap3A_147 = vector.load %arg8[%swap3A_145, %swap3A_146] : memref<128x1xi32, #tpu.memory_space<vmem>>, vector<128x1xi32>
    tpu.vector_store %arg8[%swap3A_145, %swap3A_146], %sub3A_144 {strides = array<i32>} : memref<128x1xi32, #tpu.memory_space<vmem>>, vector<128x1xi32>,
    %iota3A_148 = tpu.iota {dimensions = array<i32: 0>} : vector<128x128xi32>
    %iota3A_149 = tpu.iota {dimensions = array<i32: 1>} : vector<128x128xi32>
    %lt3A_150 = arith.cmpi slt, %iota3A_149, %iota3A_148 : vector<128x128xi32>
    %jit3A_151 = arith.constant 1.000000e+00 : f32
    %jit3A_152 = arith.constant 0.000000e+00 : f32
    %broadcast_in_dim3A_153 = vector.broadcast %jit3A_151 : f32 to vector<128x128xf32>
    %broadcast_in_dim3A_154 = vector.broadcast %jit3A_152 : f32 to vector<128x128xf32>
    %select_n3A_155 = arith.select %lt3A_150, %broadcast_in_dim3A_153, %broadcast_in_dim3A_154 : vector<128x128xi1>, vector<128x128xf32>
    %broadcast_in_dim3A_156 = arith.constant 0.000000e+00 : f32
    %broadcast_in_dim3A_157 = vector.broadcast %broadcast_in_dim3A_156 : f32 to vector<1x64xf32>
    %slice3A = vector.extract_strided_slice %select_n3A_66 {offsets = [0, 0], sizes = [128, 64], strides = [1, 1]} : vector<2048x64xf32> to vector<128x64xf32>
    %slice3A_158 = vector.extract_strided_slice %select_n3A_73 {offsets = [0, 0], sizes = [128, 64], strides = [1, 1]} : vector<2048x64xf32> to vector<128x64xf32>
    %dot_general3A_159 = arith.constant dense<0.000000e+00> : vector<128x64xf32>
    %dot_general3A_160 = tpu.matmul %select_n3A_155, %slice3A, %dot_general3A_159 {dimension_numbers = #tpu.dot_dimension_numbers<[1], [0], [0], [1], [0, 0, 1, 1], [], []>, transpose_lhs_hint = false} : vector<128x128xf32>, vector<128x64xf32>, vector<128x64xf32> -> vector<128x64xf32>
    %dot_general3A_161 = arith.constant dense<0.000000e+00> : vector<128x64xf32>
    %dot_general3A_162 = tpu.matmul %select_n3A_155, %slice3A_158, %dot_general3A_161 {dimension_numbers = #tpu.dot_dimension_numbers<[1], [0], [0], [1], [0, 0, 1, 1], [], []>, transpose_lhs_hint = false} : vector<128x128xf32>, vector<128x64xf32>, vector<128x64xf32> -> vector<128x64xf32>
    %add3A_163 = arith.addf %mul3A_130, %broadcast_in_dim3A_157 : vector<1x64xf32>
    %add3A_164 = vector.broadcast %add3A_163 : vector<1x64xf32> to vector<128x64xf32>
    %add3A_165 = arith.addf %add3A_164, %dot_general3A_160 : vector<128x64xf32>
    %mul3A_166 = arith.mulf %add3A_165, %slice3A : vector<128x64xf32>
    %reduce_sum3A_167 = arith.constant dense<0.000000e+00> : vector<128xf32>
    %reduce_sum3A_168 = vector.multi_reduction <add>, %mul3A_166, %reduce_sum3A_167 [1] : vector<128x64xf32> to vector<128xf32>
    %broadcast_in_dim3A_169 = vector.shape_cast %reduce_sum3A_168 : vector<128xf32> to vector<128x1xf32>
    %add3A_170 = arith.addf %mul3A_130, %broadcast_in_dim3A_84 : vector<1x64xf32>
    %add3A_171 = vector.broadcast %add3A_170 : vector<1x64xf32> to vector<128x64xf32>
    %add3A_172 = arith.addf %add3A_171, %dot_general3A_162 : vector<128x64xf32>
    %mul3A_173 = arith.mulf %add3A_172, %slice3A_158 : vector<128x64xf32>
    %reduce_sum3A_174 = arith.constant dense<0.000000e+00> : vector<128xf32>
    %reduce_sum3A_175 = vector.multi_reduction <add>, %mul3A_173, %reduce_sum3A_174 [1] : vector<128x64xf32> to vector<128xf32>
    %broadcast_in_dim3A_176 = vector.shape_cast %reduce_sum3A_175 : vector<128xf32> to vector<128x1xf32>
    %convert_element_type3A_177 = arith.fptosi %broadcast_in_dim3A_169 : vector<128x1xf32> to vector<128x1xi32>
    %swap3A_178 = arith.constant 0 : index
    %swap3A_179 = arith.constant 0 : index
    %swap3A_180 = vector.load %arg6[%swap3A_178, %swap3A_179] : memref<2048x1xi32, #tpu.memory_space<vmem>>, vector<128x1xi32>
    tpu.vector_store %arg6[%swap3A_178, %swap3A_179], %convert_element_type3A_177 {strides = array<i32>} : memref<2048x1xi32, #tpu.memory_space<vmem>>, vector<128x1xi32>,
    %convert_element_type3A_181 = arith.fptosi %broadcast_in_dim3A_176 : vector<128x1xf32> to vector<128x1xi32>
    %swap3A_182 = arith.constant 0 : index
    %swap3A_183 = arith.constant 0 : index
    %swap3A_184 = vector.load %arg7[%swap3A_182, %swap3A_183] : memref<2048x1xi32, #tpu.memory_space<vmem>>, vector<128x1xi32>
    tpu.vector_store %arg7[%swap3A_182, %swap3A_183], %convert_element_type3A_181 {strides = array<i32>} : memref<2048x1xi32, #tpu.memory_space<vmem>>, vector<128x1xi32>,
    %reduce_sum3A_185 = arith.constant dense<0.000000e+00> : vector<64xf32>
    %reduce_sum3A_186 = vector.multi_reduction <add>, %slice3A, %reduce_sum3A_185 [0] : vector<128x64xf32> to vector<64xf32>
    %broadcast_in_dim3A_187 = vector.shape_cast %reduce_sum3A_186 : vector<64xf32> to vector<1x64xf32>
    %add3A_188 = arith.addf %broadcast_in_dim3A_157, %broadcast_in_dim3A_187 : vector<1x64xf32>
    %reduce_sum3A_189 = arith.constant dense<0.000000e+00> : vector<64xf32>
    %reduce_sum3A_190 = vector.multi_reduction <add>, %slice3A_158, %reduce_sum3A_189 [0] : vector<128x64xf32> to vector<64xf32>
    %broadcast_in_dim3A_191 = vector.shape_cast %reduce_sum3A_190 : vector<64xf32> to vector<1x64xf32>
    %add3A_192 = arith.addf %broadcast_in_dim3A_84, %broadcast_in_dim3A_191 : vector<1x64xf32>
    %slice3A_193 = vector.extract_strided_slice %select_n3A_66 {offsets = [128, 0], sizes = [128, 64], strides = [1, 1]} : vector<2048x64xf32> to vector<128x64xf32>
    %slice3A_194 = vector.extract_strided_slice %select_n3A_73 {offsets = [128, 0], sizes = [128, 64], strides = [1, 1]} : vector<2048x64xf32> to vector<128x64xf32>
    %dot_general3A_195 = arith.constant dense<0.000000e+00> : vector<128x64xf32>
    %dot_general3A_196 = tpu.matmul %select_n3A_155, %slice3A_193, %dot_general3A_195 {dimension_numbers = #tpu.dot_dimension_numbers<[1], [0], [0], [1], [0, 0, 1, 1], [], []>, transpose_lhs_hint = false} : vector<128x128xf32>, vector<128x64xf32>, vector<128x64xf32> -> vector<128x64xf32>
    %dot_general3A_197 = arith.constant dense<0.000000e+00> : vector<128x64xf32>
    %dot_general3A_198 = tpu.matmul %select_n3A_155, %slice3A_194, %dot_general3A_197 {dimension_numbers = #tpu.dot_dimension_numbers<[1], [0], [0], [1], [0, 0, 1, 1], [], []>, transpose_lhs_hint = false} : vector<128x128xf32>, vector<128x64xf32>, vector<128x64xf32> -> vector<128x64xf32>
    %add3A_199 = arith.addf %mul3A_130, %add3A_188 : vector<1x64xf32>
    %add3A_200 = vector.broadcast %add3A_199 : vector<1x64xf32> to vector<128x64xf32>
    %add3A_201 = arith.addf %add3A_200, %dot_general3A_196 : vector<128x64xf32>
    %mul3A_202 = arith.mulf %add3A_201, %slice3A_193 : vector<128x64xf32>
    %reduce_sum3A_203 = arith.constant dense<0.000000e+00> : vector<128xf32>
    %reduce_sum3A_204 = vector.multi_reduction <add>, %mul3A_202, %reduce_sum3A_203 [1] : vector<128x64xf32> to vector<128xf32>
    %broadcast_in_dim3A_205 = vector.shape_cast %reduce_sum3A_204 : vector<128xf32> to vector<128x1xf32>
    %add3A_206 = arith.addf %mul3A_130, %add3A_192 : vector<1x64xf32>
    %add3A_207 = vector.broadcast %add3A_206 : vector<1x64xf32> to vector<128x64xf32>
    %add3A_208 = arith.addf %add3A_207, %dot_general3A_198 : vector<128x64xf32>
    %mul3A_209 = arith.mulf %add3A_208, %slice3A_194 : vector<128x64xf32>
    %reduce_sum3A_210 = arith.constant dense<0.000000e+00> : vector<128xf32>
    %reduce_sum3A_211 = vector.multi_reduction <add>, %mul3A_209, %reduce_sum3A_210 [1] : vector<128x64xf32> to vector<128xf32>
    %broadcast_in_dim3A_212 = vector.shape_cast %reduce_sum3A_211 : vector<128xf32> to vector<128x1xf32>
    %convert_element_type3A_213 = arith.fptosi %broadcast_in_dim3A_205 : vector<128x1xf32> to vector<128x1xi32>
    %swap3A_214 = arith.constant 128 : index
    %swap3A_215 = arith.constant 0 : index
    %swap3A_216 = vector.load %arg6[%swap3A_214, %swap3A_215] : memref<2048x1xi32, #tpu.memory_space<vmem>>, vector<128x1xi32>
    tpu.vector_store %arg6[%swap3A_214, %swap3A_215], %convert_element_type3A_213 {strides = array<i32>} : memref<2048x1xi32, #tpu.memory_space<vmem>>, vector<128x1xi32>,
    %convert_element_type3A_217 = arith.fptosi %broadcast_in_dim3A_212 : vector<128x1xf32> to vector<128x1xi32>
    %swap3A_218 = arith.constant 128 : index
    %swap3A_219 = arith.constant 0 : index
    %swap3A_220 = vector.load %arg7[%swap3A_218, %swap3A_219] : memref<2048x1xi32, #tpu.memory_space<vmem>>, vector<128x1xi32>
    tpu.vector_store %arg7[%swap3A_218, %swap3A_219], %convert_element_type3A_217 {strides = array<i32>} : memref<2048x1xi32, #tpu.memory_space<vmem>>, vector<128x1xi32>,
    %reduce_sum3A_221 = arith.constant dense<0.000000e+00> : vector<64xf32>
    %reduce_sum3A_222 = vector.multi_reduction <add>, %slice3A_193, %reduce_sum3A_221 [0] : vector<128x64xf32> to vector<64xf32>
    %broadcast_in_dim3A_223 = vector.shape_cast %reduce_sum3A_222 : vector<64xf32> to vector<1x64xf32>
    %add3A_224 = arith.addf %add3A_188, %broadcast_in_dim3A_223 : vector<1x64xf32>
    %reduce_sum3A_225 = arith.constant dense<0.000000e+00> : vector<64xf32>
    %reduce_sum3A_226 = vector.multi_reduction <add>, %slice3A_194, %reduce_sum3A_225 [0] : vector<128x64xf32> to vector<64xf32>
    %broadcast_in_dim3A_227 = vector.shape_cast %reduce_sum3A_226 : vector<64xf32> to vector<1x64xf32>
    %add3A_228 = arith.addf %add3A_192, %broadcast_in_dim3A_227 : vector<1x64xf32>
    %slice3A_229 = vector.extract_strided_slice %select_n3A_66 {offsets = [256, 0], sizes = [128, 64], strides = [1, 1]} : vector<2048x64xf32> to vector<128x64xf32>
    %slice3A_230 = vector.extract_strided_slice %select_n3A_73 {offsets = [256, 0], sizes = [128, 64], strides = [1, 1]} : vector<2048x64xf32> to vector<128x64xf32>
    %dot_general3A_231 = arith.constant dense<0.000000e+00> : vector<128x64xf32>
    %dot_general3A_232 = tpu.matmul %select_n3A_155, %slice3A_229, %dot_general3A_231 {dimension_numbers = #tpu.dot_dimension_numbers<[1], [0], [0], [1], [0, 0, 1, 1], [], []>, transpose_lhs_hint = false} : vector<128x128xf32>, vector<128x64xf32>, vector<128x64xf32> -> vector<128x64xf32>
    %dot_general3A_233 = arith.constant dense<0.000000e+00> : vector<128x64xf32>
    %dot_general3A_234 = tpu.matmul %select_n3A_155, %slice3A_230, %dot_general3A_233 {dimension_numbers = #tpu.dot_dimension_numbers<[1], [0], [0], [1], [0, 0, 1, 1], [], []>, transpose_lhs_hint = false} : vector<128x128xf32>, vector<128x64xf32>, vector<128x64xf32> -> vector<128x64xf32>
    %add3A_235 = arith.addf %mul3A_130, %add3A_224 : vector<1x64xf32>
    %add3A_236 = vector.broadcast %add3A_235 : vector<1x64xf32> to vector<128x64xf32>
    %add3A_237 = arith.addf %add3A_236, %dot_general3A_232 : vector<128x64xf32>
    %mul3A_238 = arith.mulf %add3A_237, %slice3A_229 : vector<128x64xf32>
    %reduce_sum3A_239 = arith.constant dense<0.000000e+00> : vector<128xf32>
    %reduce_sum3A_240 = vector.multi_reduction <add>, %mul3A_238, %reduce_sum3A_239 [1] : vector<128x64xf32> to vector<128xf32>
    %broadcast_in_dim3A_241 = vector.shape_cast %reduce_sum3A_240 : vector<128xf32> to vector<128x1xf32>
    %add3A_242 = arith.addf %mul3A_130, %add3A_228 : vector<1x64xf32>
    %add3A_243 = vector.broadcast %add3A_242 : vector<1x64xf32> to vector<128x64xf32>
    %add3A_244 = arith.addf %add3A_243, %dot_general3A_234 : vector<128x64xf32>
    %mul3A_245 = arith.mulf %add3A_244, %slice3A_230 : vector<128x64xf32>
    %reduce_sum3A_246 = arith.constant dense<0.000000e+00> : vector<128xf32>
    %reduce_sum3A_247 = vector.multi_reduction <add>, %mul3A_245, %reduce_sum3A_246 [1] : vector<128x64xf32> to vector<128xf32>
    %broadcast_in_dim3A_248 = vector.shape_cast %reduce_sum3A_247 : vector<128xf32> to vector<128x1xf32>
    %convert_element_type3A_249 = arith.fptosi %broadcast_in_dim3A_241 : vector<128x1xf32> to vector<128x1xi32>
    %swap3A_250 = arith.constant 256 : index
    %swap3A_251 = arith.constant 0 : index
    %swap3A_252 = vector.load %arg6[%swap3A_250, %swap3A_251] : memref<2048x1xi32, #tpu.memory_space<vmem>>, vector<128x1xi32>
    tpu.vector_store %arg6[%swap3A_250, %swap3A_251], %convert_element_type3A_249 {strides = array<i32>} : memref<2048x1xi32, #tpu.memory_space<vmem>>, vector<128x1xi32>,
    %convert_element_type3A_253 = arith.fptosi %broadcast_in_dim3A_248 : vector<128x1xf32> to vector<128x1xi32>
    %swap3A_254 = arith.constant 256 : index
    %swap3A_255 = arith.constant 0 : index
    %swap3A_256 = vector.load %arg7[%swap3A_254, %swap3A_255] : memref<2048x1xi32, #tpu.memory_space<vmem>>, vector<128x1xi32>
    tpu.vector_store %arg7[%swap3A_254, %swap3A_255], %convert_element_type3A_253 {strides = array<i32>} : memref<2048x1xi32, #tpu.memory_space<vmem>>, vector<128x1xi32>,
    %reduce_sum3A_257 = arith.constant dense<0.000000e+00> : vector<64xf32>
    %reduce_sum3A_258 = vector.multi_reduction <add>, %slice3A_229, %reduce_sum3A_257 [0] : vector<128x64xf32> to vector<64xf32>
    %broadcast_in_dim3A_259 = vector.shape_cast %reduce_sum3A_258 : vector<64xf32> to vector<1x64xf32>
    %add3A_260 = arith.addf %add3A_224, %broadcast_in_dim3A_259 : vector<1x64xf32>
    %reduce_sum3A_261 = arith.constant dense<0.000000e+00> : vector<64xf32>
    %reduce_sum3A_262 = vector.multi_reduction <add>, %slice3A_230, %reduce_sum3A_261 [0] : vector<128x64xf32> to vector<64xf32>
    %broadcast_in_dim3A_263 = vector.shape_cast %reduce_sum3A_262 : vector<64xf32> to vector<1x64xf32>
    %add3A_264 = arith.addf %add3A_228, %broadcast_in_dim3A_263 : vector<1x64xf32>
    %slice3A_265 = vector.extract_strided_slice %select_n3A_66 {offsets = [384, 0], sizes = [128, 64], strides = [1, 1]} : vector<2048x64xf32> to vector<128x64xf32>
    %slice3A_266 = vector.extract_strided_slice %select_n3A_73 {offsets = [384, 0], sizes = [128, 64], strides = [1, 1]} : vector<2048x64xf32> to vector<128x64xf32>
    %dot_general3A_267 = arith.constant dense<0.000000e+00> : vector<128x64xf32>
    %dot_general3A_268 = tpu.matmul %select_n3A_155, %slice3A_265, %dot_general3A_267 {dimension_numbers = #tpu.dot_dimension_numbers<[1], [0], [0], [1], [0, 0, 1, 1], [], []>, transpose_lhs_hint = false} : vector<128x128xf32>, vector<128x64xf32>, vector<128x64xf32> -> vector<128x64xf32>
    %dot_general3A_269 = arith.constant dense<0.000000e+00> : vector<128x64xf32>
    %dot_general3A_270 = tpu.matmul %select_n3A_155, %slice3A_266, %dot_general3A_269 {dimension_numbers = #tpu.dot_dimension_numbers<[1], [0], [0], [1], [0, 0, 1, 1], [], []>, transpose_lhs_hint = false} : vector<128x128xf32>, vector<128x64xf32>, vector<128x64xf32> -> vector<128x64xf32>
    %add3A_271 = arith.addf %mul3A_130, %add3A_260 : vector<1x64xf32>
    %add3A_272 = vector.broadcast %add3A_271 : vector<1x64xf32> to vector<128x64xf32>
    %add3A_273 = arith.addf %add3A_272, %dot_general3A_268 : vector<128x64xf32>
    %mul3A_274 = arith.mulf %add3A_273, %slice3A_265 : vector<128x64xf32>
    %reduce_sum3A_275 = arith.constant dense<0.000000e+00> : vector<128xf32>
    %reduce_sum3A_276 = vector.multi_reduction <add>, %mul3A_274, %reduce_sum3A_275 [1] : vector<128x64xf32> to vector<128xf32>
    %broadcast_in_dim3A_277 = vector.shape_cast %reduce_sum3A_276 : vector<128xf32> to vector<128x1xf32>
    %add3A_278 = arith.addf %mul3A_130, %add3A_264 : vector<1x64xf32>
    %add3A_279 = vector.broadcast %add3A_278 : vector<1x64xf32> to vector<128x64xf32>
    %add3A_280 = arith.addf %add3A_279, %dot_general3A_270 : vector<128x64xf32>
    %mul3A_281 = arith.mulf %add3A_280, %slice3A_266 : vector<128x64xf32>
    %reduce_sum3A_282 = arith.constant dense<0.000000e+00> : vector<128xf32>
    %reduce_sum3A_283 = vector.multi_reduction <add>, %mul3A_281, %reduce_sum3A_282 [1] : vector<128x64xf32> to vector<128xf32>
    %broadcast_in_dim3A_284 = vector.shape_cast %reduce_sum3A_283 : vector<128xf32> to vector<128x1xf32>
    %convert_element_type3A_285 = arith.fptosi %broadcast_in_dim3A_277 : vector<128x1xf32> to vector<128x1xi32>
    %swap3A_286 = arith.constant 384 : index
    %swap3A_287 = arith.constant 0 : index
    %swap3A_288 = vector.load %arg6[%swap3A_286, %swap3A_287] : memref<2048x1xi32, #tpu.memory_space<vmem>>, vector<128x1xi32>
    tpu.vector_store %arg6[%swap3A_286, %swap3A_287], %convert_element_type3A_285 {strides = array<i32>} : memref<2048x1xi32, #tpu.memory_space<vmem>>, vector<128x1xi32>,
    %convert_element_type3A_289 = arith.fptosi %broadcast_in_dim3A_284 : vector<128x1xf32> to vector<128x1xi32>
    %swap3A_290 = arith.constant 384 : index
    %swap3A_291 = arith.constant 0 : index
    %swap3A_292 = vector.load %arg7[%swap3A_290, %swap3A_291] : memref<2048x1xi32, #tpu.memory_space<vmem>>, vector<128x1xi32>
    tpu.vector_store %arg7[%swap3A_290, %swap3A_291], %convert_element_type3A_289 {strides = array<i32>} : memref<2048x1xi32, #tpu.memory_space<vmem>>, vector<128x1xi32>,
    %reduce_sum3A_293 = arith.constant dense<0.000000e+00> : vector<64xf32>
    %reduce_sum3A_294 = vector.multi_reduction <add>, %slice3A_265, %reduce_sum3A_293 [0] : vector<128x64xf32> to vector<64xf32>
    %broadcast_in_dim3A_295 = vector.shape_cast %reduce_sum3A_294 : vector<64xf32> to vector<1x64xf32>
    %add3A_296 = arith.addf %add3A_260, %broadcast_in_dim3A_295 : vector<1x64xf32>
    %reduce_sum3A_297 = arith.constant dense<0.000000e+00> : vector<64xf32>
    %reduce_sum3A_298 = vector.multi_reduction <add>, %slice3A_266, %reduce_sum3A_297 [0] : vector<128x64xf32> to vector<64xf32>
    %broadcast_in_dim3A_299 = vector.shape_cast %reduce_sum3A_298 : vector<64xf32> to vector<1x64xf32>
    %add3A_300 = arith.addf %add3A_264, %broadcast_in_dim3A_299 : vector<1x64xf32>
    %slice3A_301 = vector.extract_strided_slice %select_n3A_66 {offsets = [512, 0], sizes = [128, 64], strides = [1, 1]} : vector<2048x64xf32> to vector<128x64xf32>
    %slice3A_302 = vector.extract_strided_slice %select_n3A_73 {offsets = [512, 0], sizes = [128, 64], strides = [1, 1]} : vector<2048x64xf32> to vector<128x64xf32>
    %dot_general3A_303 = arith.constant dense<0.000000e+00> : vector<128x64xf32>
    %dot_general3A_304 = tpu.matmul %select_n3A_155, %slice3A_301, %dot_general3A_303 {dimension_numbers = #tpu.dot_dimension_numbers<[1], [0], [0], [1], [0, 0, 1, 1], [], []>, transpose_lhs_hint = false} : vector<128x128xf32>, vector<128x64xf32>, vector<128x64xf32> -> vector<128x64xf32>
    %dot_general3A_305 = arith.constant dense<0.000000e+00> : vector<128x64xf32>
    %dot_general3A_306 = tpu.matmul %select_n3A_155, %slice3A_302, %dot_general3A_305 {dimension_numbers = #tpu.dot_dimension_numbers<[1], [0], [0], [1], [0, 0, 1, 1], [], []>, transpose_lhs_hint = false} : vector<128x128xf32>, vector<128x64xf32>, vector<128x64xf32> -> vector<128x64xf32>
    %add3A_307 = arith.addf %mul3A_130, %add3A_296 : vector<1x64xf32>
    %add3A_308 = vector.broadcast %add3A_307 : vector<1x64xf32> to vector<128x64xf32>
    %add3A_309 = arith.addf %add3A_308, %dot_general3A_304 : vector<128x64xf32>
    %mul3A_310 = arith.mulf %add3A_309, %slice3A_301 : vector<128x64xf32>
    %reduce_sum3A_311 = arith.constant dense<0.000000e+00> : vector<128xf32>
    %reduce_sum3A_312 = vector.multi_reduction <add>, %mul3A_310, %reduce_sum3A_311 [1] : vector<128x64xf32> to vector<128xf32>
    %broadcast_in_dim3A_313 = vector.shape_cast %reduce_sum3A_312 : vector<128xf32> to vector<128x1xf32>
    %add3A_314 = arith.addf %mul3A_130, %add3A_300 : vector<1x64xf32>
    %add3A_315 = vector.broadcast %add3A_314 : vector<1x64xf32> to vector<128x64xf32>
    %add3A_316 = arith.addf %add3A_315, %dot_general3A_306 : vector<128x64xf32>
    %mul3A_317 = arith.mulf %add3A_316, %slice3A_302 : vector<128x64xf32>
    %reduce_sum3A_318 = arith.constant dense<0.000000e+00> : vector<128xf32>
    %reduce_sum3A_319 = vector.multi_reduction <add>, %mul3A_317, %reduce_sum3A_318 [1] : vector<128x64xf32> to vector<128xf32>
    %broadcast_in_dim3A_320 = vector.shape_cast %reduce_sum3A_319 : vector<128xf32> to vector<128x1xf32>
    %convert_element_type3A_321 = arith.fptosi %broadcast_in_dim3A_313 : vector<128x1xf32> to vector<128x1xi32>
    %swap3A_322 = arith.constant 512 : index
    %swap3A_323 = arith.constant 0 : index
    %swap3A_324 = vector.load %arg6[%swap3A_322, %swap3A_323] : memref<2048x1xi32, #tpu.memory_space<vmem>>, vector<128x1xi32>
    tpu.vector_store %arg6[%swap3A_322, %swap3A_323], %convert_element_type3A_321 {strides = array<i32>} : memref<2048x1xi32, #tpu.memory_space<vmem>>, vector<128x1xi32>,
    %convert_element_type3A_325 = arith.fptosi %broadcast_in_dim3A_320 : vector<128x1xf32> to vector<128x1xi32>
    %swap3A_326 = arith.constant 512 : index
    %swap3A_327 = arith.constant 0 : index
    %swap3A_328 = vector.load %arg7[%swap3A_326, %swap3A_327] : memref<2048x1xi32, #tpu.memory_space<vmem>>, vector<128x1xi32>
    tpu.vector_store %arg7[%swap3A_326, %swap3A_327], %convert_element_type3A_325 {strides = array<i32>} : memref<2048x1xi32, #tpu.memory_space<vmem>>, vector<128x1xi32>,
    %reduce_sum3A_329 = arith.constant dense<0.000000e+00> : vector<64xf32>
    %reduce_sum3A_330 = vector.multi_reduction <add>, %slice3A_301, %reduce_sum3A_329 [0] : vector<128x64xf32> to vector<64xf32>
    %broadcast_in_dim3A_331 = vector.shape_cast %reduce_sum3A_330 : vector<64xf32> to vector<1x64xf32>
    %add3A_332 = arith.addf %add3A_296, %broadcast_in_dim3A_331 : vector<1x64xf32>
    %reduce_sum3A_333 = arith.constant dense<0.000000e+00> : vector<64xf32>
    %reduce_sum3A_334 = vector.multi_reduction <add>, %slice3A_302, %reduce_sum3A_333 [0] : vector<128x64xf32> to vector<64xf32>
    %broadcast_in_dim3A_335 = vector.shape_cast %reduce_sum3A_334 : vector<64xf32> to vector<1x64xf32>
    %add3A_336 = arith.addf %add3A_300, %broadcast_in_dim3A_335 : vector<1x64xf32>
    %slice3A_337 = vector.extract_strided_slice %select_n3A_66 {offsets = [640, 0], sizes = [128, 64], strides = [1, 1]} : vector<2048x64xf32> to vector<128x64xf32>
    %slice3A_338 = vector.extract_strided_slice %select_n3A_73 {offsets = [640, 0], sizes = [128, 64], strides = [1, 1]} : vector<2048x64xf32> to vector<128x64xf32>
    %dot_general3A_339 = arith.constant dense<0.000000e+00> : vector<128x64xf32>
    %dot_general3A_340 = tpu.matmul %select_n3A_155, %slice3A_337, %dot_general3A_339 {dimension_numbers = #tpu.dot_dimension_numbers<[1], [0], [0], [1], [0, 0, 1, 1], [], []>, transpose_lhs_hint = false} : vector<128x128xf32>, vector<128x64xf32>, vector<128x64xf32> -> vector<128x64xf32>
    %dot_general3A_341 = arith.constant dense<0.000000e+00> : vector<128x64xf32>
    %dot_general3A_342 = tpu.matmul %select_n3A_155, %slice3A_338, %dot_general3A_341 {dimension_numbers = #tpu.dot_dimension_numbers<[1], [0], [0], [1], [0, 0, 1, 1], [], []>, transpose_lhs_hint = false} : vector<128x128xf32>, vector<128x64xf32>, vector<128x64xf32> -> vector<128x64xf32>
    %add3A_343 = arith.addf %mul3A_130, %add3A_332 : vector<1x64xf32>
    %add3A_344 = vector.broadcast %add3A_343 : vector<1x64xf32> to vector<128x64xf32>
    %add3A_345 = arith.addf %add3A_344, %dot_general3A_340 : vector<128x64xf32>
    %mul3A_346 = arith.mulf %add3A_345, %slice3A_337 : vector<128x64xf32>
    %reduce_sum3A_347 = arith.constant dense<0.000000e+00> : vector<128xf32>
    %reduce_sum3A_348 = vector.multi_reduction <add>, %mul3A_346, %reduce_sum3A_347 [1] : vector<128x64xf32> to vector<128xf32>
    %broadcast_in_dim3A_349 = vector.shape_cast %reduce_sum3A_348 : vector<128xf32> to vector<128x1xf32>
    %add3A_350 = arith.addf %mul3A_130, %add3A_336 : vector<1x64xf32>
    %add3A_351 = vector.broadcast %add3A_350 : vector<1x64xf32> to vector<128x64xf32>
    %add3A_352 = arith.addf %add3A_351, %dot_general3A_342 : vector<128x64xf32>
    %mul3A_353 = arith.mulf %add3A_352, %slice3A_338 : vector<128x64xf32>
    %reduce_sum3A_354 = arith.constant dense<0.000000e+00> : vector<128xf32>
    %reduce_sum3A_355 = vector.multi_reduction <add>, %mul3A_353, %reduce_sum3A_354 [1] : vector<128x64xf32> to vector<128xf32>
    %broadcast_in_dim3A_356 = vector.shape_cast %reduce_sum3A_355 : vector<128xf32> to vector<128x1xf32>
    %convert_element_type3A_357 = arith.fptosi %broadcast_in_dim3A_349 : vector<128x1xf32> to vector<128x1xi32>
    %swap3A_358 = arith.constant 640 : index
    %swap3A_359 = arith.constant 0 : index
    %swap3A_360 = vector.load %arg6[%swap3A_358, %swap3A_359] : memref<2048x1xi32, #tpu.memory_space<vmem>>, vector<128x1xi32>
    tpu.vector_store %arg6[%swap3A_358, %swap3A_359], %convert_element_type3A_357 {strides = array<i32>} : memref<2048x1xi32, #tpu.memory_space<vmem>>, vector<128x1xi32>,
    %convert_element_type3A_361 = arith.fptosi %broadcast_in_dim3A_356 : vector<128x1xf32> to vector<128x1xi32>
    %swap3A_362 = arith.constant 640 : index
    %swap3A_363 = arith.constant 0 : index
    %swap3A_364 = vector.load %arg7[%swap3A_362, %swap3A_363] : memref<2048x1xi32, #tpu.memory_space<vmem>>, vector<128x1xi32>
    tpu.vector_store %arg7[%swap3A_362, %swap3A_363], %convert_element_type3A_361 {strides = array<i32>} : memref<2048x1xi32, #tpu.memory_space<vmem>>, vector<128x1xi32>,
    %reduce_sum3A_365 = arith.constant dense<0.000000e+00> : vector<64xf32>
    %reduce_sum3A_366 = vector.multi_reduction <add>, %slice3A_337, %reduce_sum3A_365 [0] : vector<128x64xf32> to vector<64xf32>
    %broadcast_in_dim3A_367 = vector.shape_cast %reduce_sum3A_366 : vector<64xf32> to vector<1x64xf32>
    %add3A_368 = arith.addf %add3A_332, %broadcast_in_dim3A_367 : vector<1x64xf32>
    %reduce_sum3A_369 = arith.constant dense<0.000000e+00> : vector<64xf32>
    %reduce_sum3A_370 = vector.multi_reduction <add>, %slice3A_338, %reduce_sum3A_369 [0] : vector<128x64xf32> to vector<64xf32>
    %broadcast_in_dim3A_371 = vector.shape_cast %reduce_sum3A_370 : vector<64xf32> to vector<1x64xf32>
    %add3A_372 = arith.addf %add3A_336, %broadcast_in_dim3A_371 : vector<1x64xf32>
    %slice3A_373 = vector.extract_strided_slice %select_n3A_66 {offsets = [768, 0], sizes = [128, 64], strides = [1, 1]} : vector<2048x64xf32> to vector<128x64xf32>
    %slice3A_374 = vector.extract_strided_slice %select_n3A_73 {offsets = [768, 0], sizes = [128, 64], strides = [1, 1]} : vector<2048x64xf32> to vector<128x64xf32>
    %dot_general3A_375 = arith.constant dense<0.000000e+00> : vector<128x64xf32>
    %dot_general3A_376 = tpu.matmul %select_n3A_155, %slice3A_373, %dot_general3A_375 {dimension_numbers = #tpu.dot_dimension_numbers<[1], [0], [0], [1], [0, 0, 1, 1], [], []>, transpose_lhs_hint = false} : vector<128x128xf32>, vector<128x64xf32>, vector<128x64xf32> -> vector<128x64xf32>
    %dot_general3A_377 = arith.constant dense<0.000000e+00> : vector<128x64xf32>
    %dot_general3A_378 = tpu.matmul %select_n3A_155, %slice3A_374, %dot_general3A_377 {dimension_numbers = #tpu.dot_dimension_numbers<[1], [0], [0], [1], [0, 0, 1, 1], [], []>, transpose_lhs_hint = false} : vector<128x128xf32>, vector<128x64xf32>, vector<128x64xf32> -> vector<128x64xf32>
    %add3A_379 = arith.addf %mul3A_130, %add3A_368 : vector<1x64xf32>
    %add3A_380 = vector.broadcast %add3A_379 : vector<1x64xf32> to vector<128x64xf32>
    %add3A_381 = arith.addf %add3A_380, %dot_general3A_376 : vector<128x64xf32>
    %mul3A_382 = arith.mulf %add3A_381, %slice3A_373 : vector<128x64xf32>
    %reduce_sum3A_383 = arith.constant dense<0.000000e+00> : vector<128xf32>
    %reduce_sum3A_384 = vector.multi_reduction <add>, %mul3A_382, %reduce_sum3A_383 [1] : vector<128x64xf32> to vector<128xf32>
    %broadcast_in_dim3A_385 = vector.shape_cast %reduce_sum3A_384 : vector<128xf32> to vector<128x1xf32>
    %add3A_386 = arith.addf %mul3A_130, %add3A_372 : vector<1x64xf32>
    %add3A_387 = vector.broadcast %add3A_386 : vector<1x64xf32> to vector<128x64xf32>
    %add3A_388 = arith.addf %add3A_387, %dot_general3A_378 : vector<128x64xf32>
    %mul3A_389 = arith.mulf %add3A_388, %slice3A_374 : vector<128x64xf32>
    %reduce_sum3A_390 = arith.constant dense<0.000000e+00> : vector<128xf32>
    %reduce_sum3A_391 = vector.multi_reduction <add>, %mul3A_389, %reduce_sum3A_390 [1] : vector<128x64xf32> to vector<128xf32>
    %broadcast_in_dim3A_392 = vector.shape_cast %reduce_sum3A_391 : vector<128xf32> to vector<128x1xf32>
    %convert_element_type3A_393 = arith.fptosi %broadcast_in_dim3A_385 : vector<128x1xf32> to vector<128x1xi32>
    %swap3A_394 = arith.constant 768 : index
    %swap3A_395 = arith.constant 0 : index
    %swap3A_396 = vector.load %arg6[%swap3A_394, %swap3A_395] : memref<2048x1xi32, #tpu.memory_space<vmem>>, vector<128x1xi32>
    tpu.vector_store %arg6[%swap3A_394, %swap3A_395], %convert_element_type3A_393 {strides = array<i32>} : memref<2048x1xi32, #tpu.memory_space<vmem>>, vector<128x1xi32>,
    %convert_element_type3A_397 = arith.fptosi %broadcast_in_dim3A_392 : vector<128x1xf32> to vector<128x1xi32>
    %swap3A_398 = arith.constant 768 : index
    %swap3A_399 = arith.constant 0 : index
    %swap3A_400 = vector.load %arg7[%swap3A_398, %swap3A_399] : memref<2048x1xi32, #tpu.memory_space<vmem>>, vector<128x1xi32>
    tpu.vector_store %arg7[%swap3A_398, %swap3A_399], %convert_element_type3A_397 {strides = array<i32>} : memref<2048x1xi32, #tpu.memory_space<vmem>>, vector<128x1xi32>,
    %reduce_sum3A_401 = arith.constant dense<0.000000e+00> : vector<64xf32>
    %reduce_sum3A_402 = vector.multi_reduction <add>, %slice3A_373, %reduce_sum3A_401 [0] : vector<128x64xf32> to vector<64xf32>
    %broadcast_in_dim3A_403 = vector.shape_cast %reduce_sum3A_402 : vector<64xf32> to vector<1x64xf32>
    %add3A_404 = arith.addf %add3A_368, %broadcast_in_dim3A_403 : vector<1x64xf32>
    %reduce_sum3A_405 = arith.constant dense<0.000000e+00> : vector<64xf32>
    %reduce_sum3A_406 = vector.multi_reduction <add>, %slice3A_374, %reduce_sum3A_405 [0] : vector<128x64xf32> to vector<64xf32>
    %broadcast_in_dim3A_407 = vector.shape_cast %reduce_sum3A_406 : vector<64xf32> to vector<1x64xf32>
    %add3A_408 = arith.addf %add3A_372, %broadcast_in_dim3A_407 : vector<1x64xf32>
    %slice3A_409 = vector.extract_strided_slice %select_n3A_66 {offsets = [896, 0], sizes = [128, 64], strides = [1, 1]} : vector<2048x64xf32> to vector<128x64xf32>
    %slice3A_410 = vector.extract_strided_slice %select_n3A_73 {offsets = [896, 0], sizes = [128, 64], strides = [1, 1]} : vector<2048x64xf32> to vector<128x64xf32>
    %dot_general3A_411 = arith.constant dense<0.000000e+00> : vector<128x64xf32>
    %dot_general3A_412 = tpu.matmul %select_n3A_155, %slice3A_409, %dot_general3A_411 {dimension_numbers = #tpu.dot_dimension_numbers<[1], [0], [0], [1], [0, 0, 1, 1], [], []>, transpose_lhs_hint = false} : vector<128x128xf32>, vector<128x64xf32>, vector<128x64xf32> -> vector<128x64xf32>
    %dot_general3A_413 = arith.constant dense<0.000000e+00> : vector<128x64xf32>
    %dot_general3A_414 = tpu.matmul %select_n3A_155, %slice3A_410, %dot_general3A_413 {dimension_numbers = #tpu.dot_dimension_numbers<[1], [0], [0], [1], [0, 0, 1, 1], [], []>, transpose_lhs_hint = false} : vector<128x128xf32>, vector<128x64xf32>, vector<128x64xf32> -> vector<128x64xf32>
    %add3A_415 = arith.addf %mul3A_130, %add3A_404 : vector<1x64xf32>
    %add3A_416 = vector.broadcast %add3A_415 : vector<1x64xf32> to vector<128x64xf32>
    %add3A_417 = arith.addf %add3A_416, %dot_general3A_412 : vector<128x64xf32>
    %mul3A_418 = arith.mulf %add3A_417, %slice3A_409 : vector<128x64xf32>
    %reduce_sum3A_419 = arith.constant dense<0.000000e+00> : vector<128xf32>
    %reduce_sum3A_420 = vector.multi_reduction <add>, %mul3A_418, %reduce_sum3A_419 [1] : vector<128x64xf32> to vector<128xf32>
    %broadcast_in_dim3A_421 = vector.shape_cast %reduce_sum3A_420 : vector<128xf32> to vector<128x1xf32>
    %add3A_422 = arith.addf %mul3A_130, %add3A_408 : vector<1x64xf32>
    %add3A_423 = vector.broadcast %add3A_422 : vector<1x64xf32> to vector<128x64xf32>
    %add3A_424 = arith.addf %add3A_423, %dot_general3A_414 : vector<128x64xf32>
    %mul3A_425 = arith.mulf %add3A_424, %slice3A_410 : vector<128x64xf32>
    %reduce_sum3A_426 = arith.constant dense<0.000000e+00> : vector<128xf32>
    %reduce_sum3A_427 = vector.multi_reduction <add>, %mul3A_425, %reduce_sum3A_426 [1] : vector<128x64xf32> to vector<128xf32>
    %broadcast_in_dim3A_428 = vector.shape_cast %reduce_sum3A_427 : vector<128xf32> to vector<128x1xf32>
    %convert_element_type3A_429 = arith.fptosi %broadcast_in_dim3A_421 : vector<128x1xf32> to vector<128x1xi32>
    %swap3A_430 = arith.constant 896 : index
    %swap3A_431 = arith.constant 0 : index
    %swap3A_432 = vector.load %arg6[%swap3A_430, %swap3A_431] : memref<2048x1xi32, #tpu.memory_space<vmem>>, vector<128x1xi32>
    tpu.vector_store %arg6[%swap3A_430, %swap3A_431], %convert_element_type3A_429 {strides = array<i32>} : memref<2048x1xi32, #tpu.memory_space<vmem>>, vector<128x1xi32>,
    %convert_element_type3A_433 = arith.fptosi %broadcast_in_dim3A_428 : vector<128x1xf32> to vector<128x1xi32>
    %swap3A_434 = arith.constant 896 : index
    %swap3A_435 = arith.constant 0 : index
    %swap3A_436 = vector.load %arg7[%swap3A_434, %swap3A_435] : memref<2048x1xi32, #tpu.memory_space<vmem>>, vector<128x1xi32>
    tpu.vector_store %arg7[%swap3A_434, %swap3A_435], %convert_element_type3A_433 {strides = array<i32>} : memref<2048x1xi32, #tpu.memory_space<vmem>>, vector<128x1xi32>,
    %reduce_sum3A_437 = arith.constant dense<0.000000e+00> : vector<64xf32>
    %reduce_sum3A_438 = vector.multi_reduction <add>, %slice3A_409, %reduce_sum3A_437 [0] : vector<128x64xf32> to vector<64xf32>
    %broadcast_in_dim3A_439 = vector.shape_cast %reduce_sum3A_438 : vector<64xf32> to vector<1x64xf32>
    %add3A_440 = arith.addf %add3A_404, %broadcast_in_dim3A_439 : vector<1x64xf32>
    %reduce_sum3A_441 = arith.constant dense<0.000000e+00> : vector<64xf32>
    %reduce_sum3A_442 = vector.multi_reduction <add>, %slice3A_410, %reduce_sum3A_441 [0] : vector<128x64xf32> to vector<64xf32>
    %broadcast_in_dim3A_443 = vector.shape_cast %reduce_sum3A_442 : vector<64xf32> to vector<1x64xf32>
    %add3A_444 = arith.addf %add3A_408, %broadcast_in_dim3A_443 : vector<1x64xf32>
    %slice3A_445 = vector.extract_strided_slice %select_n3A_66 {offsets = [1024, 0], sizes = [128, 64], strides = [1, 1]} : vector<2048x64xf32> to vector<128x64xf32>
    %slice3A_446 = vector.extract_strided_slice %select_n3A_73 {offsets = [1024, 0], sizes = [128, 64], strides = [1, 1]} : vector<2048x64xf32> to vector<128x64xf32>
    %dot_general3A_447 = arith.constant dense<0.000000e+00> : vector<128x64xf32>
    %dot_general3A_448 = tpu.matmul %select_n3A_155, %slice3A_445, %dot_general3A_447 {dimension_numbers = #tpu.dot_dimension_numbers<[1], [0], [0], [1], [0, 0, 1, 1], [], []>, transpose_lhs_hint = false} : vector<128x128xf32>, vector<128x64xf32>, vector<128x64xf32> -> vector<128x64xf32>
    %dot_general3A_449 = arith.constant dense<0.000000e+00> : vector<128x64xf32>
    %dot_general3A_450 = tpu.matmul %select_n3A_155, %slice3A_446, %dot_general3A_449 {dimension_numbers = #tpu.dot_dimension_numbers<[1], [0], [0], [1], [0, 0, 1, 1], [], []>, transpose_lhs_hint = false} : vector<128x128xf32>, vector<128x64xf32>, vector<128x64xf32> -> vector<128x64xf32>
    %add3A_451 = arith.addf %mul3A_130, %add3A_440 : vector<1x64xf32>
    %add3A_452 = vector.broadcast %add3A_451 : vector<1x64xf32> to vector<128x64xf32>
    %add3A_453 = arith.addf %add3A_452, %dot_general3A_448 : vector<128x64xf32>
    %mul3A_454 = arith.mulf %add3A_453, %slice3A_445 : vector<128x64xf32>
    %reduce_sum3A_455 = arith.constant dense<0.000000e+00> : vector<128xf32>
    %reduce_sum3A_456 = vector.multi_reduction <add>, %mul3A_454, %reduce_sum3A_455 [1] : vector<128x64xf32> to vector<128xf32>
    %broadcast_in_dim3A_457 = vector.shape_cast %reduce_sum3A_456 : vector<128xf32> to vector<128x1xf32>
    %add3A_458 = arith.addf %mul3A_130, %add3A_444 : vector<1x64xf32>
    %add3A_459 = vector.broadcast %add3A_458 : vector<1x64xf32> to vector<128x64xf32>
    %add3A_460 = arith.addf %add3A_459, %dot_general3A_450 : vector<128x64xf32>
    %mul3A_461 = arith.mulf %add3A_460, %slice3A_446 : vector<128x64xf32>
    %reduce_sum3A_462 = arith.constant dense<0.000000e+00> : vector<128xf32>
    %reduce_sum3A_463 = vector.multi_reduction <add>, %mul3A_461, %reduce_sum3A_462 [1] : vector<128x64xf32> to vector<128xf32>
    %broadcast_in_dim3A_464 = vector.shape_cast %reduce_sum3A_463 : vector<128xf32> to vector<128x1xf32>
    %convert_element_type3A_465 = arith.fptosi %broadcast_in_dim3A_457 : vector<128x1xf32> to vector<128x1xi32>
    %swap3A_466 = arith.constant 1024 : index
    %swap3A_467 = arith.constant 0 : index
    %swap3A_468 = vector.load %arg6[%swap3A_466, %swap3A_467] : memref<2048x1xi32, #tpu.memory_space<vmem>>, vector<128x1xi32>
    tpu.vector_store %arg6[%swap3A_466, %swap3A_467], %convert_element_type3A_465 {strides = array<i32>} : memref<2048x1xi32, #tpu.memory_space<vmem>>, vector<128x1xi32>,
    %convert_element_type3A_469 = arith.fptosi %broadcast_in_dim3A_464 : vector<128x1xf32> to vector<128x1xi32>
    %swap3A_470 = arith.constant 1024 : index
    %swap3A_471 = arith.constant 0 : index
    %swap3A_472 = vector.load %arg7[%swap3A_470, %swap3A_471] : memref<2048x1xi32, #tpu.memory_space<vmem>>, vector<128x1xi32>
    tpu.vector_store %arg7[%swap3A_470, %swap3A_471], %convert_element_type3A_469 {strides = array<i32>} : memref<2048x1xi32, #tpu.memory_space<vmem>>, vector<128x1xi32>,
    %reduce_sum3A_473 = arith.constant dense<0.000000e+00> : vector<64xf32>
    %reduce_sum3A_474 = vector.multi_reduction <add>, %slice3A_445, %reduce_sum3A_473 [0] : vector<128x64xf32> to vector<64xf32>
    %broadcast_in_dim3A_475 = vector.shape_cast %reduce_sum3A_474 : vector<64xf32> to vector<1x64xf32>
    %add3A_476 = arith.addf %add3A_440, %broadcast_in_dim3A_475 : vector<1x64xf32>
    %reduce_sum3A_477 = arith.constant dense<0.000000e+00> : vector<64xf32>
    %reduce_sum3A_478 = vector.multi_reduction <add>, %slice3A_446, %reduce_sum3A_477 [0] : vector<128x64xf32> to vector<64xf32>
    %broadcast_in_dim3A_479 = vector.shape_cast %reduce_sum3A_478 : vector<64xf32> to vector<1x64xf32>
    %add3A_480 = arith.addf %add3A_444, %broadcast_in_dim3A_479 : vector<1x64xf32>
    %slice3A_481 = vector.extract_strided_slice %select_n3A_66 {offsets = [1152, 0], sizes = [128, 64], strides = [1, 1]} : vector<2048x64xf32> to vector<128x64xf32>
    %slice3A_482 = vector.extract_strided_slice %select_n3A_73 {offsets = [1152, 0], sizes = [128, 64], strides = [1, 1]} : vector<2048x64xf32> to vector<128x64xf32>
    %dot_general3A_483 = arith.constant dense<0.000000e+00> : vector<128x64xf32>
    %dot_general3A_484 = tpu.matmul %select_n3A_155, %slice3A_481, %dot_general3A_483 {dimension_numbers = #tpu.dot_dimension_numbers<[1], [0], [0], [1], [0, 0, 1, 1], [], []>, transpose_lhs_hint = false} : vector<128x128xf32>, vector<128x64xf32>, vector<128x64xf32> -> vector<128x64xf32>
    %dot_general3A_485 = arith.constant dense<0.000000e+00> : vector<128x64xf32>
    %dot_general3A_486 = tpu.matmul %select_n3A_155, %slice3A_482, %dot_general3A_485 {dimension_numbers = #tpu.dot_dimension_numbers<[1], [0], [0], [1], [0, 0, 1, 1], [], []>, transpose_lhs_hint = false} : vector<128x128xf32>, vector<128x64xf32>, vector<128x64xf32> -> vector<128x64xf32>
    %add3A_487 = arith.addf %mul3A_130, %add3A_476 : vector<1x64xf32>
    %add3A_488 = vector.broadcast %add3A_487 : vector<1x64xf32> to vector<128x64xf32>
    %add3A_489 = arith.addf %add3A_488, %dot_general3A_484 : vector<128x64xf32>
    %mul3A_490 = arith.mulf %add3A_489, %slice3A_481 : vector<128x64xf32>
    %reduce_sum3A_491 = arith.constant dense<0.000000e+00> : vector<128xf32>
    %reduce_sum3A_492 = vector.multi_reduction <add>, %mul3A_490, %reduce_sum3A_491 [1] : vector<128x64xf32> to vector<128xf32>
    %broadcast_in_dim3A_493 = vector.shape_cast %reduce_sum3A_492 : vector<128xf32> to vector<128x1xf32>
    %add3A_494 = arith.addf %mul3A_130, %add3A_480 : vector<1x64xf32>
    %add3A_495 = vector.broadcast %add3A_494 : vector<1x64xf32> to vector<128x64xf32>
    %add3A_496 = arith.addf %add3A_495, %dot_general3A_486 : vector<128x64xf32>
    %mul3A_497 = arith.mulf %add3A_496, %slice3A_482 : vector<128x64xf32>
    %reduce_sum3A_498 = arith.constant dense<0.000000e+00> : vector<128xf32>
    %reduce_sum3A_499 = vector.multi_reduction <add>, %mul3A_497, %reduce_sum3A_498 [1] : vector<128x64xf32> to vector<128xf32>
    %broadcast_in_dim3A_500 = vector.shape_cast %reduce_sum3A_499 : vector<128xf32> to vector<128x1xf32>
    %convert_element_type3A_501 = arith.fptosi %broadcast_in_dim3A_493 : vector<128x1xf32> to vector<128x1xi32>
    %swap3A_502 = arith.constant 1152 : index
    %swap3A_503 = arith.constant 0 : index
    %swap3A_504 = vector.load %arg6[%swap3A_502, %swap3A_503] : memref<2048x1xi32, #tpu.memory_space<vmem>>, vector<128x1xi32>
    tpu.vector_store %arg6[%swap3A_502, %swap3A_503], %convert_element_type3A_501 {strides = array<i32>} : memref<2048x1xi32, #tpu.memory_space<vmem>>, vector<128x1xi32>,
    %convert_element_type3A_505 = arith.fptosi %broadcast_in_dim3A_500 : vector<128x1xf32> to vector<128x1xi32>
    %swap3A_506 = arith.constant 1152 : index
    %swap3A_507 = arith.constant 0 : index
    %swap3A_508 = vector.load %arg7[%swap3A_506, %swap3A_507] : memref<2048x1xi32, #tpu.memory_space<vmem>>, vector<128x1xi32>
    tpu.vector_store %arg7[%swap3A_506, %swap3A_507], %convert_element_type3A_505 {strides = array<i32>} : memref<2048x1xi32, #tpu.memory_space<vmem>>, vector<128x1xi32>,
    %reduce_sum3A_509 = arith.constant dense<0.000000e+00> : vector<64xf32>
    %reduce_sum3A_510 = vector.multi_reduction <add>, %slice3A_481, %reduce_sum3A_509 [0] : vector<128x64xf32> to vector<64xf32>
    %broadcast_in_dim3A_511 = vector.shape_cast %reduce_sum3A_510 : vector<64xf32> to vector<1x64xf32>
    %add3A_512 = arith.addf %add3A_476, %broadcast_in_dim3A_511 : vector<1x64xf32>
    %reduce_sum3A_513 = arith.constant dense<0.000000e+00> : vector<64xf32>
    %reduce_sum3A_514 = vector.multi_reduction <add>, %slice3A_482, %reduce_sum3A_513 [0] : vector<128x64xf32> to vector<64xf32>
    %broadcast_in_dim3A_515 = vector.shape_cast %reduce_sum3A_514 : vector<64xf32> to vector<1x64xf32>
    %add3A_516 = arith.addf %add3A_480, %broadcast_in_dim3A_515 : vector<1x64xf32>
    %slice3A_517 = vector.extract_strided_slice %select_n3A_66 {offsets = [1280, 0], sizes = [128, 64], strides = [1, 1]} : vector<2048x64xf32> to vector<128x64xf32>
    %slice3A_518 = vector.extract_strided_slice %select_n3A_73 {offsets = [1280, 0], sizes = [128, 64], strides = [1, 1]} : vector<2048x64xf32> to vector<128x64xf32>
    %dot_general3A_519 = arith.constant dense<0.000000e+00> : vector<128x64xf32>
    %dot_general3A_520 = tpu.matmul %select_n3A_155, %slice3A_517, %dot_general3A_519 {dimension_numbers = #tpu.dot_dimension_numbers<[1], [0], [0], [1], [0, 0, 1, 1], [], []>, transpose_lhs_hint = false} : vector<128x128xf32>, vector<128x64xf32>, vector<128x64xf32> -> vector<128x64xf32>
    %dot_general3A_521 = arith.constant dense<0.000000e+00> : vector<128x64xf32>
    %dot_general3A_522 = tpu.matmul %select_n3A_155, %slice3A_518, %dot_general3A_521 {dimension_numbers = #tpu.dot_dimension_numbers<[1], [0], [0], [1], [0, 0, 1, 1], [], []>, transpose_lhs_hint = false} : vector<128x128xf32>, vector<128x64xf32>, vector<128x64xf32> -> vector<128x64xf32>
    %add3A_523 = arith.addf %mul3A_130, %add3A_512 : vector<1x64xf32>
    %add3A_524 = vector.broadcast %add3A_523 : vector<1x64xf32> to vector<128x64xf32>
    %add3A_525 = arith.addf %add3A_524, %dot_general3A_520 : vector<128x64xf32>
    %mul3A_526 = arith.mulf %add3A_525, %slice3A_517 : vector<128x64xf32>
    %reduce_sum3A_527 = arith.constant dense<0.000000e+00> : vector<128xf32>
    %reduce_sum3A_528 = vector.multi_reduction <add>, %mul3A_526, %reduce_sum3A_527 [1] : vector<128x64xf32> to vector<128xf32>
    %broadcast_in_dim3A_529 = vector.shape_cast %reduce_sum3A_528 : vector<128xf32> to vector<128x1xf32>
    %add3A_530 = arith.addf %mul3A_130, %add3A_516 : vector<1x64xf32>
    %add3A_531 = vector.broadcast %add3A_530 : vector<1x64xf32> to vector<128x64xf32>
    %add3A_532 = arith.addf %add3A_531, %dot_general3A_522 : vector<128x64xf32>
    %mul3A_533 = arith.mulf %add3A_532, %slice3A_518 : vector<128x64xf32>
    %reduce_sum3A_534 = arith.constant dense<0.000000e+00> : vector<128xf32>
    %reduce_sum3A_535 = vector.multi_reduction <add>, %mul3A_533, %reduce_sum3A_534 [1] : vector<128x64xf32> to vector<128xf32>
    %broadcast_in_dim3A_536 = vector.shape_cast %reduce_sum3A_535 : vector<128xf32> to vector<128x1xf32>
    %convert_element_type3A_537 = arith.fptosi %broadcast_in_dim3A_529 : vector<128x1xf32> to vector<128x1xi32>
    %swap3A_538 = arith.constant 1280 : index
    %swap3A_539 = arith.constant 0 : index
    %swap3A_540 = vector.load %arg6[%swap3A_538, %swap3A_539] : memref<2048x1xi32, #tpu.memory_space<vmem>>, vector<128x1xi32>
    tpu.vector_store %arg6[%swap3A_538, %swap3A_539], %convert_element_type3A_537 {strides = array<i32>} : memref<2048x1xi32, #tpu.memory_space<vmem>>, vector<128x1xi32>,
    %convert_element_type3A_541 = arith.fptosi %broadcast_in_dim3A_536 : vector<128x1xf32> to vector<128x1xi32>
    %swap3A_542 = arith.constant 1280 : index
    %swap3A_543 = arith.constant 0 : index
    %swap3A_544 = vector.load %arg7[%swap3A_542, %swap3A_543] : memref<2048x1xi32, #tpu.memory_space<vmem>>, vector<128x1xi32>
    tpu.vector_store %arg7[%swap3A_542, %swap3A_543], %convert_element_type3A_541 {strides = array<i32>} : memref<2048x1xi32, #tpu.memory_space<vmem>>, vector<128x1xi32>,
    %reduce_sum3A_545 = arith.constant dense<0.000000e+00> : vector<64xf32>
    %reduce_sum3A_546 = vector.multi_reduction <add>, %slice3A_517, %reduce_sum3A_545 [0] : vector<128x64xf32> to vector<64xf32>
    %broadcast_in_dim3A_547 = vector.shape_cast %reduce_sum3A_546 : vector<64xf32> to vector<1x64xf32>
    %add3A_548 = arith.addf %add3A_512, %broadcast_in_dim3A_547 : vector<1x64xf32>
    %reduce_sum3A_549 = arith.constant dense<0.000000e+00> : vector<64xf32>
    %reduce_sum3A_550 = vector.multi_reduction <add>, %slice3A_518, %reduce_sum3A_549 [0] : vector<128x64xf32> to vector<64xf32>
    %broadcast_in_dim3A_551 = vector.shape_cast %reduce_sum3A_550 : vector<64xf32> to vector<1x64xf32>
    %add3A_552 = arith.addf %add3A_516, %broadcast_in_dim3A_551 : vector<1x64xf32>
    %slice3A_553 = vector.extract_strided_slice %select_n3A_66 {offsets = [1408, 0], sizes = [128, 64], strides = [1, 1]} : vector<2048x64xf32> to vector<128x64xf32>
    %slice3A_554 = vector.extract_strided_slice %select_n3A_73 {offsets = [1408, 0], sizes = [128, 64], strides = [1, 1]} : vector<2048x64xf32> to vector<128x64xf32>
    %dot_general3A_555 = arith.constant dense<0.000000e+00> : vector<128x64xf32>
    %dot_general3A_556 = tpu.matmul %select_n3A_155, %slice3A_553, %dot_general3A_555 {dimension_numbers = #tpu.dot_dimension_numbers<[1], [0], [0], [1], [0, 0, 1, 1], [], []>, transpose_lhs_hint = false} : vector<128x128xf32>, vector<128x64xf32>, vector<128x64xf32> -> vector<128x64xf32>
    %dot_general3A_557 = arith.constant dense<0.000000e+00> : vector<128x64xf32>
    %dot_general3A_558 = tpu.matmul %select_n3A_155, %slice3A_554, %dot_general3A_557 {dimension_numbers = #tpu.dot_dimension_numbers<[1], [0], [0], [1], [0, 0, 1, 1], [], []>, transpose_lhs_hint = false} : vector<128x128xf32>, vector<128x64xf32>, vector<128x64xf32> -> vector<128x64xf32>
    %add3A_559 = arith.addf %mul3A_130, %add3A_548 : vector<1x64xf32>
    %add3A_560 = vector.broadcast %add3A_559 : vector<1x64xf32> to vector<128x64xf32>
    %add3A_561 = arith.addf %add3A_560, %dot_general3A_556 : vector<128x64xf32>
    %mul3A_562 = arith.mulf %add3A_561, %slice3A_553 : vector<128x64xf32>
    %reduce_sum3A_563 = arith.constant dense<0.000000e+00> : vector<128xf32>
    %reduce_sum3A_564 = vector.multi_reduction <add>, %mul3A_562, %reduce_sum3A_563 [1] : vector<128x64xf32> to vector<128xf32>
    %broadcast_in_dim3A_565 = vector.shape_cast %reduce_sum3A_564 : vector<128xf32> to vector<128x1xf32>
    %add3A_566 = arith.addf %mul3A_130, %add3A_552 : vector<1x64xf32>
    %add3A_567 = vector.broadcast %add3A_566 : vector<1x64xf32> to vector<128x64xf32>
    %add3A_568 = arith.addf %add3A_567, %dot_general3A_558 : vector<128x64xf32>
    %mul3A_569 = arith.mulf %add3A_568, %slice3A_554 : vector<128x64xf32>
    %reduce_sum3A_570 = arith.constant dense<0.000000e+00> : vector<128xf32>
    %reduce_sum3A_571 = vector.multi_reduction <add>, %mul3A_569, %reduce_sum3A_570 [1] : vector<128x64xf32> to vector<128xf32>
    %broadcast_in_dim3A_572 = vector.shape_cast %reduce_sum3A_571 : vector<128xf32> to vector<128x1xf32>
    %convert_element_type3A_573 = arith.fptosi %broadcast_in_dim3A_565 : vector<128x1xf32> to vector<128x1xi32>
    %swap3A_574 = arith.constant 1408 : index
    %swap3A_575 = arith.constant 0 : index
    %swap3A_576 = vector.load %arg6[%swap3A_574, %swap3A_575] : memref<2048x1xi32, #tpu.memory_space<vmem>>, vector<128x1xi32>
    tpu.vector_store %arg6[%swap3A_574, %swap3A_575], %convert_element_type3A_573 {strides = array<i32>} : memref<2048x1xi32, #tpu.memory_space<vmem>>, vector<128x1xi32>,
    %convert_element_type3A_577 = arith.fptosi %broadcast_in_dim3A_572 : vector<128x1xf32> to vector<128x1xi32>
    %swap3A_578 = arith.constant 1408 : index
    %swap3A_579 = arith.constant 0 : index
    %swap3A_580 = vector.load %arg7[%swap3A_578, %swap3A_579] : memref<2048x1xi32, #tpu.memory_space<vmem>>, vector<128x1xi32>
    tpu.vector_store %arg7[%swap3A_578, %swap3A_579], %convert_element_type3A_577 {strides = array<i32>} : memref<2048x1xi32, #tpu.memory_space<vmem>>, vector<128x1xi32>,
    %reduce_sum3A_581 = arith.constant dense<0.000000e+00> : vector<64xf32>
    %reduce_sum3A_582 = vector.multi_reduction <add>, %slice3A_553, %reduce_sum3A_581 [0] : vector<128x64xf32> to vector<64xf32>
    %broadcast_in_dim3A_583 = vector.shape_cast %reduce_sum3A_582 : vector<64xf32> to vector<1x64xf32>
    %add3A_584 = arith.addf %add3A_548, %broadcast_in_dim3A_583 : vector<1x64xf32>
    %reduce_sum3A_585 = arith.constant dense<0.000000e+00> : vector<64xf32>
    %reduce_sum3A_586 = vector.multi_reduction <add>, %slice3A_554, %reduce_sum3A_585 [0] : vector<128x64xf32> to vector<64xf32>
    %broadcast_in_dim3A_587 = vector.shape_cast %reduce_sum3A_586 : vector<64xf32> to vector<1x64xf32>
    %add3A_588 = arith.addf %add3A_552, %broadcast_in_dim3A_587 : vector<1x64xf32>
    %slice3A_589 = vector.extract_strided_slice %select_n3A_66 {offsets = [1536, 0], sizes = [128, 64], strides = [1, 1]} : vector<2048x64xf32> to vector<128x64xf32>
    %slice3A_590 = vector.extract_strided_slice %select_n3A_73 {offsets = [1536, 0], sizes = [128, 64], strides = [1, 1]} : vector<2048x64xf32> to vector<128x64xf32>
    %dot_general3A_591 = arith.constant dense<0.000000e+00> : vector<128x64xf32>
    %dot_general3A_592 = tpu.matmul %select_n3A_155, %slice3A_589, %dot_general3A_591 {dimension_numbers = #tpu.dot_dimension_numbers<[1], [0], [0], [1], [0, 0, 1, 1], [], []>, transpose_lhs_hint = false} : vector<128x128xf32>, vector<128x64xf32>, vector<128x64xf32> -> vector<128x64xf32>
    %dot_general3A_593 = arith.constant dense<0.000000e+00> : vector<128x64xf32>
    %dot_general3A_594 = tpu.matmul %select_n3A_155, %slice3A_590, %dot_general3A_593 {dimension_numbers = #tpu.dot_dimension_numbers<[1], [0], [0], [1], [0, 0, 1, 1], [], []>, transpose_lhs_hint = false} : vector<128x128xf32>, vector<128x64xf32>, vector<128x64xf32> -> vector<128x64xf32>
    %add3A_595 = arith.addf %mul3A_130, %add3A_584 : vector<1x64xf32>
    %add3A_596 = vector.broadcast %add3A_595 : vector<1x64xf32> to vector<128x64xf32>
    %add3A_597 = arith.addf %add3A_596, %dot_general3A_592 : vector<128x64xf32>
    %mul3A_598 = arith.mulf %add3A_597, %slice3A_589 : vector<128x64xf32>
    %reduce_sum3A_599 = arith.constant dense<0.000000e+00> : vector<128xf32>
    %reduce_sum3A_600 = vector.multi_reduction <add>, %mul3A_598, %reduce_sum3A_599 [1] : vector<128x64xf32> to vector<128xf32>
    %broadcast_in_dim3A_601 = vector.shape_cast %reduce_sum3A_600 : vector<128xf32> to vector<128x1xf32>
    %add3A_602 = arith.addf %mul3A_130, %add3A_588 : vector<1x64xf32>
    %add3A_603 = vector.broadcast %add3A_602 : vector<1x64xf32> to vector<128x64xf32>
    %add3A_604 = arith.addf %add3A_603, %dot_general3A_594 : vector<128x64xf32>
    %mul3A_605 = arith.mulf %add3A_604, %slice3A_590 : vector<128x64xf32>
    %reduce_sum3A_606 = arith.constant dense<0.000000e+00> : vector<128xf32>
    %reduce_sum3A_607 = vector.multi_reduction <add>, %mul3A_605, %reduce_sum3A_606 [1] : vector<128x64xf32> to vector<128xf32>
    %broadcast_in_dim3A_608 = vector.shape_cast %reduce_sum3A_607 : vector<128xf32> to vector<128x1xf32>
    %convert_element_type3A_609 = arith.fptosi %broadcast_in_dim3A_601 : vector<128x1xf32> to vector<128x1xi32>
    %swap3A_610 = arith.constant 1536 : index
    %swap3A_611 = arith.constant 0 : index
    %swap3A_612 = vector.load %arg6[%swap3A_610, %swap3A_611] : memref<2048x1xi32, #tpu.memory_space<vmem>>, vector<128x1xi32>
    tpu.vector_store %arg6[%swap3A_610, %swap3A_611], %convert_element_type3A_609 {strides = array<i32>} : memref<2048x1xi32, #tpu.memory_space<vmem>>, vector<128x1xi32>,
    %convert_element_type3A_613 = arith.fptosi %broadcast_in_dim3A_608 : vector<128x1xf32> to vector<128x1xi32>
    %swap3A_614 = arith.constant 1536 : index
    %swap3A_615 = arith.constant 0 : index
    %swap3A_616 = vector.load %arg7[%swap3A_614, %swap3A_615] : memref<2048x1xi32, #tpu.memory_space<vmem>>, vector<128x1xi32>
    tpu.vector_store %arg7[%swap3A_614, %swap3A_615], %convert_element_type3A_613 {strides = array<i32>} : memref<2048x1xi32, #tpu.memory_space<vmem>>, vector<128x1xi32>,
    %reduce_sum3A_617 = arith.constant dense<0.000000e+00> : vector<64xf32>
    %reduce_sum3A_618 = vector.multi_reduction <add>, %slice3A_589, %reduce_sum3A_617 [0] : vector<128x64xf32> to vector<64xf32>
    %broadcast_in_dim3A_619 = vector.shape_cast %reduce_sum3A_618 : vector<64xf32> to vector<1x64xf32>
    %add3A_620 = arith.addf %add3A_584, %broadcast_in_dim3A_619 : vector<1x64xf32>
    %reduce_sum3A_621 = arith.constant dense<0.000000e+00> : vector<64xf32>
    %reduce_sum3A_622 = vector.multi_reduction <add>, %slice3A_590, %reduce_sum3A_621 [0] : vector<128x64xf32> to vector<64xf32>
    %broadcast_in_dim3A_623 = vector.shape_cast %reduce_sum3A_622 : vector<64xf32> to vector<1x64xf32>
    %add3A_624 = arith.addf %add3A_588, %broadcast_in_dim3A_623 : vector<1x64xf32>
    %slice3A_625 = vector.extract_strided_slice %select_n3A_66 {offsets = [1664, 0], sizes = [128, 64], strides = [1, 1]} : vector<2048x64xf32> to vector<128x64xf32>
    %slice3A_626 = vector.extract_strided_slice %select_n3A_73 {offsets = [1664, 0], sizes = [128, 64], strides = [1, 1]} : vector<2048x64xf32> to vector<128x64xf32>
    %dot_general3A_627 = arith.constant dense<0.000000e+00> : vector<128x64xf32>
    %dot_general3A_628 = tpu.matmul %select_n3A_155, %slice3A_625, %dot_general3A_627 {dimension_numbers = #tpu.dot_dimension_numbers<[1], [0], [0], [1], [0, 0, 1, 1], [], []>, transpose_lhs_hint = false} : vector<128x128xf32>, vector<128x64xf32>, vector<128x64xf32> -> vector<128x64xf32>
    %dot_general3A_629 = arith.constant dense<0.000000e+00> : vector<128x64xf32>
    %dot_general3A_630 = tpu.matmul %select_n3A_155, %slice3A_626, %dot_general3A_629 {dimension_numbers = #tpu.dot_dimension_numbers<[1], [0], [0], [1], [0, 0, 1, 1], [], []>, transpose_lhs_hint = false} : vector<128x128xf32>, vector<128x64xf32>, vector<128x64xf32> -> vector<128x64xf32>
    %add3A_631 = arith.addf %mul3A_130, %add3A_620 : vector<1x64xf32>
    %add3A_632 = vector.broadcast %add3A_631 : vector<1x64xf32> to vector<128x64xf32>
    %add3A_633 = arith.addf %add3A_632, %dot_general3A_628 : vector<128x64xf32>
    %mul3A_634 = arith.mulf %add3A_633, %slice3A_625 : vector<128x64xf32>
    %reduce_sum3A_635 = arith.constant dense<0.000000e+00> : vector<128xf32>
    %reduce_sum3A_636 = vector.multi_reduction <add>, %mul3A_634, %reduce_sum3A_635 [1] : vector<128x64xf32> to vector<128xf32>
    %broadcast_in_dim3A_637 = vector.shape_cast %reduce_sum3A_636 : vector<128xf32> to vector<128x1xf32>
    %add3A_638 = arith.addf %mul3A_130, %add3A_624 : vector<1x64xf32>
    %add3A_639 = vector.broadcast %add3A_638 : vector<1x64xf32> to vector<128x64xf32>
    %add3A_640 = arith.addf %add3A_639, %dot_general3A_630 : vector<128x64xf32>
    %mul3A_641 = arith.mulf %add3A_640, %slice3A_626 : vector<128x64xf32>
    %reduce_sum3A_642 = arith.constant dense<0.000000e+00> : vector<128xf32>
    %reduce_sum3A_643 = vector.multi_reduction <add>, %mul3A_641, %reduce_sum3A_642 [1] : vector<128x64xf32> to vector<128xf32>
    %broadcast_in_dim3A_644 = vector.shape_cast %reduce_sum3A_643 : vector<128xf32> to vector<128x1xf32>
    %convert_element_type3A_645 = arith.fptosi %broadcast_in_dim3A_637 : vector<128x1xf32> to vector<128x1xi32>
    %swap3A_646 = arith.constant 1664 : index
    %swap3A_647 = arith.constant 0 : index
    %swap3A_648 = vector.load %arg6[%swap3A_646, %swap3A_647] : memref<2048x1xi32, #tpu.memory_space<vmem>>, vector<128x1xi32>
    tpu.vector_store %arg6[%swap3A_646, %swap3A_647], %convert_element_type3A_645 {strides = array<i32>} : memref<2048x1xi32, #tpu.memory_space<vmem>>, vector<128x1xi32>,
    %convert_element_type3A_649 = arith.fptosi %broadcast_in_dim3A_644 : vector<128x1xf32> to vector<128x1xi32>
    %swap3A_650 = arith.constant 1664 : index
    %swap3A_651 = arith.constant 0 : index
    %swap3A_652 = vector.load %arg7[%swap3A_650, %swap3A_651] : memref<2048x1xi32, #tpu.memory_space<vmem>>, vector<128x1xi32>
    tpu.vector_store %arg7[%swap3A_650, %swap3A_651], %convert_element_type3A_649 {strides = array<i32>} : memref<2048x1xi32, #tpu.memory_space<vmem>>, vector<128x1xi32>,
    %reduce_sum3A_653 = arith.constant dense<0.000000e+00> : vector<64xf32>
    %reduce_sum3A_654 = vector.multi_reduction <add>, %slice3A_625, %reduce_sum3A_653 [0] : vector<128x64xf32> to vector<64xf32>
    %broadcast_in_dim3A_655 = vector.shape_cast %reduce_sum3A_654 : vector<64xf32> to vector<1x64xf32>
    %add3A_656 = arith.addf %add3A_620, %broadcast_in_dim3A_655 : vector<1x64xf32>
    %reduce_sum3A_657 = arith.constant dense<0.000000e+00> : vector<64xf32>
    %reduce_sum3A_658 = vector.multi_reduction <add>, %slice3A_626, %reduce_sum3A_657 [0] : vector<128x64xf32> to vector<64xf32>
    %broadcast_in_dim3A_659 = vector.shape_cast %reduce_sum3A_658 : vector<64xf32> to vector<1x64xf32>
    %add3A_660 = arith.addf %add3A_624, %broadcast_in_dim3A_659 : vector<1x64xf32>
    %slice3A_661 = vector.extract_strided_slice %select_n3A_66 {offsets = [1792, 0], sizes = [128, 64], strides = [1, 1]} : vector<2048x64xf32> to vector<128x64xf32>
    %slice3A_662 = vector.extract_strided_slice %select_n3A_73 {offsets = [1792, 0], sizes = [128, 64], strides = [1, 1]} : vector<2048x64xf32> to vector<128x64xf32>
    %dot_general3A_663 = arith.constant dense<0.000000e+00> : vector<128x64xf32>
    %dot_general3A_664 = tpu.matmul %select_n3A_155, %slice3A_661, %dot_general3A_663 {dimension_numbers = #tpu.dot_dimension_numbers<[1], [0], [0], [1], [0, 0, 1, 1], [], []>, transpose_lhs_hint = false} : vector<128x128xf32>, vector<128x64xf32>, vector<128x64xf32> -> vector<128x64xf32>
    %dot_general3A_665 = arith.constant dense<0.000000e+00> : vector<128x64xf32>
    %dot_general3A_666 = tpu.matmul %select_n3A_155, %slice3A_662, %dot_general3A_665 {dimension_numbers = #tpu.dot_dimension_numbers<[1], [0], [0], [1], [0, 0, 1, 1], [], []>, transpose_lhs_hint = false} : vector<128x128xf32>, vector<128x64xf32>, vector<128x64xf32> -> vector<128x64xf32>
    %add3A_667 = arith.addf %mul3A_130, %add3A_656 : vector<1x64xf32>
    %add3A_668 = vector.broadcast %add3A_667 : vector<1x64xf32> to vector<128x64xf32>
    %add3A_669 = arith.addf %add3A_668, %dot_general3A_664 : vector<128x64xf32>
    %mul3A_670 = arith.mulf %add3A_669, %slice3A_661 : vector<128x64xf32>
    %reduce_sum3A_671 = arith.constant dense<0.000000e+00> : vector<128xf32>
    %reduce_sum3A_672 = vector.multi_reduction <add>, %mul3A_670, %reduce_sum3A_671 [1] : vector<128x64xf32> to vector<128xf32>
    %broadcast_in_dim3A_673 = vector.shape_cast %reduce_sum3A_672 : vector<128xf32> to vector<128x1xf32>
    %add3A_674 = arith.addf %mul3A_130, %add3A_660 : vector<1x64xf32>
    %add3A_675 = vector.broadcast %add3A_674 : vector<1x64xf32> to vector<128x64xf32>
    %add3A_676 = arith.addf %add3A_675, %dot_general3A_666 : vector<128x64xf32>
    %mul3A_677 = arith.mulf %add3A_676, %slice3A_662 : vector<128x64xf32>
    %reduce_sum3A_678 = arith.constant dense<0.000000e+00> : vector<128xf32>
    %reduce_sum3A_679 = vector.multi_reduction <add>, %mul3A_677, %reduce_sum3A_678 [1] : vector<128x64xf32> to vector<128xf32>
    %broadcast_in_dim3A_680 = vector.shape_cast %reduce_sum3A_679 : vector<128xf32> to vector<128x1xf32>
    %convert_element_type3A_681 = arith.fptosi %broadcast_in_dim3A_673 : vector<128x1xf32> to vector<128x1xi32>
    %swap3A_682 = arith.constant 1792 : index
    %swap3A_683 = arith.constant 0 : index
    %swap3A_684 = vector.load %arg6[%swap3A_682, %swap3A_683] : memref<2048x1xi32, #tpu.memory_space<vmem>>, vector<128x1xi32>
    tpu.vector_store %arg6[%swap3A_682, %swap3A_683], %convert_element_type3A_681 {strides = array<i32>} : memref<2048x1xi32, #tpu.memory_space<vmem>>, vector<128x1xi32>,
    %convert_element_type3A_685 = arith.fptosi %broadcast_in_dim3A_680 : vector<128x1xf32> to vector<128x1xi32>
    %swap3A_686 = arith.constant 1792 : index
    %swap3A_687 = arith.constant 0 : index
    %swap3A_688 = vector.load %arg7[%swap3A_686, %swap3A_687] : memref<2048x1xi32, #tpu.memory_space<vmem>>, vector<128x1xi32>
    tpu.vector_store %arg7[%swap3A_686, %swap3A_687], %convert_element_type3A_685 {strides = array<i32>} : memref<2048x1xi32, #tpu.memory_space<vmem>>, vector<128x1xi32>,
    %reduce_sum3A_689 = arith.constant dense<0.000000e+00> : vector<64xf32>
    %reduce_sum3A_690 = vector.multi_reduction <add>, %slice3A_661, %reduce_sum3A_689 [0] : vector<128x64xf32> to vector<64xf32>
    %broadcast_in_dim3A_691 = vector.shape_cast %reduce_sum3A_690 : vector<64xf32> to vector<1x64xf32>
    %add3A_692 = arith.addf %add3A_656, %broadcast_in_dim3A_691 : vector<1x64xf32>
    %reduce_sum3A_693 = arith.constant dense<0.000000e+00> : vector<64xf32>
    %reduce_sum3A_694 = vector.multi_reduction <add>, %slice3A_662, %reduce_sum3A_693 [0] : vector<128x64xf32> to vector<64xf32>
    %broadcast_in_dim3A_695 = vector.shape_cast %reduce_sum3A_694 : vector<64xf32> to vector<1x64xf32>
    %add3A_696 = arith.addf %add3A_660, %broadcast_in_dim3A_695 : vector<1x64xf32>
    %slice3A_697 = vector.extract_strided_slice %select_n3A_66 {offsets = [1920, 0], sizes = [128, 64], strides = [1, 1]} : vector<2048x64xf32> to vector<128x64xf32>
    %slice3A_698 = vector.extract_strided_slice %select_n3A_73 {offsets = [1920, 0], sizes = [128, 64], strides = [1, 1]} : vector<2048x64xf32> to vector<128x64xf32>
    %dot_general3A_699 = arith.constant dense<0.000000e+00> : vector<128x64xf32>
    %dot_general3A_700 = tpu.matmul %select_n3A_155, %slice3A_697, %dot_general3A_699 {dimension_numbers = #tpu.dot_dimension_numbers<[1], [0], [0], [1], [0, 0, 1, 1], [], []>, transpose_lhs_hint = false} : vector<128x128xf32>, vector<128x64xf32>, vector<128x64xf32> -> vector<128x64xf32>
    %dot_general3A_701 = arith.constant dense<0.000000e+00> : vector<128x64xf32>
    %dot_general3A_702 = tpu.matmul %select_n3A_155, %slice3A_698, %dot_general3A_701 {dimension_numbers = #tpu.dot_dimension_numbers<[1], [0], [0], [1], [0, 0, 1, 1], [], []>, transpose_lhs_hint = false} : vector<128x128xf32>, vector<128x64xf32>, vector<128x64xf32> -> vector<128x64xf32>
    %add3A_703 = arith.addf %mul3A_130, %add3A_692 : vector<1x64xf32>
    %add3A_704 = vector.broadcast %add3A_703 : vector<1x64xf32> to vector<128x64xf32>
    %add3A_705 = arith.addf %add3A_704, %dot_general3A_700 : vector<128x64xf32>
    %mul3A_706 = arith.mulf %add3A_705, %slice3A_697 : vector<128x64xf32>
    %reduce_sum3A_707 = arith.constant dense<0.000000e+00> : vector<128xf32>
    %reduce_sum3A_708 = vector.multi_reduction <add>, %mul3A_706, %reduce_sum3A_707 [1] : vector<128x64xf32> to vector<128xf32>
    %broadcast_in_dim3A_709 = vector.shape_cast %reduce_sum3A_708 : vector<128xf32> to vector<128x1xf32>
    %add3A_710 = arith.addf %mul3A_130, %add3A_696 : vector<1x64xf32>
    %add3A_711 = vector.broadcast %add3A_710 : vector<1x64xf32> to vector<128x64xf32>
    %add3A_712 = arith.addf %add3A_711, %dot_general3A_702 : vector<128x64xf32>
    %mul3A_713 = arith.mulf %add3A_712, %slice3A_698 : vector<128x64xf32>
    %reduce_sum3A_714 = arith.constant dense<0.000000e+00> : vector<128xf32>
    %reduce_sum3A_715 = vector.multi_reduction <add>, %mul3A_713, %reduce_sum3A_714 [1] : vector<128x64xf32> to vector<128xf32>
    %broadcast_in_dim3A_716 = vector.shape_cast %reduce_sum3A_715 : vector<128xf32> to vector<128x1xf32>
    %convert_element_type3A_717 = arith.fptosi %broadcast_in_dim3A_709 : vector<128x1xf32> to vector<128x1xi32>
    %swap3A_718 = arith.constant 1920 : index
    %swap3A_719 = arith.constant 0 : index
    %swap3A_720 = vector.load %arg6[%swap3A_718, %swap3A_719] : memref<2048x1xi32, #tpu.memory_space<vmem>>, vector<128x1xi32>
    tpu.vector_store %arg6[%swap3A_718, %swap3A_719], %convert_element_type3A_717 {strides = array<i32>} : memref<2048x1xi32, #tpu.memory_space<vmem>>, vector<128x1xi32>,
    %convert_element_type3A_721 = arith.fptosi %broadcast_in_dim3A_716 : vector<128x1xf32> to vector<128x1xi32>
    %swap3A_722 = arith.constant 1920 : index
    %swap3A_723 = arith.constant 0 : index
    %swap3A_724 = vector.load %arg7[%swap3A_722, %swap3A_723] : memref<2048x1xi32, #tpu.memory_space<vmem>>, vector<128x1xi32>
    tpu.vector_store %arg7[%swap3A_722, %swap3A_723], %convert_element_type3A_721 {strides = array<i32>} : memref<2048x1xi32, #tpu.memory_space<vmem>>, vector<128x1xi32>,
    return
  }
}

</mosaic_0001>

<sc_bundles>
// kernel: kernel.4.cloned.1.call-start
scs
__scs_entry_jumppad:
0x0: {  	(pc) =	sbr.rel $0x88, $3  }
0x1: {  	(tag) =	ssettag $0x0;
	lr =	simm.s32 $0x1  }
0x2: {  	[smem:$0x3F9B] =	sst lr;
	_ =	strace $0xD0000000  }
0x3: {  	_ = 	snop  }
0x4: {  	_ = 	snop  }
0x5: {  	_ = 	snop  }
0x6: {  	_ = 	snop  }
0x7: {  	_ = 	snop  }
__scs_overlays_trampoline_lowered:
0x8: {  	[smem:$0x3FAA] =	sst s0  }
0x9: {  	[smem:$0x3FAB] =	sst s1  }
0xa: {  	[smem:$0x3FAC] =	sst s2  }
0xb: {  	[smem:$0x3FAD] =	sst s3  }
0xc: {  	[smem:$0x3FAE] =	sst s4  }
0xd: {  	[smem:$0x3FAF] =	sst s5  }
0xe: {  	[smem:$0x3FB0] =	sst s6  }
0xf: {  	[smem:$0x3FB1] =	sst s7  }
0x10: {  	[smem:$0x3FB2] =	sst s8  }
0x11: {  	[smem:$0x3FB3] =	sst s9;
	s0 =	simm.s32 @!p0 $0x0  }
0x12: {  	s1 =	sld [smem:$0x3F99];
	s0 =	simm.s32 @p0 $0x1  }
0x13: {  	[smem:$0x3FB4] =	sst s0;
	s0 =	simm.s32 @!p1 $0x0  }
0x14: {  	s2 =	sld [smem:$0x3F98];
	s0 =	simm.s32 @p1 $0x1  }
0x15: {  	[smem:$0x3FB5] =	sst s0;
	s0 =	simm.s32 @!p2 $0x0  }
0x16: {  	s3 =	sld [smem:$0x3FDB];
	s0 =	simm.s32 @p2 $0x1  }
0x17: {  	s4 =	simm.s32 $0x1BF5;
	[smem:$0x3FB7] =	sst s0  }
0x18: {  	s0 =	sld [smem:$0x3F9A];
	_ =	swait.ge [sflag:s4], $0x0  }
0x19: {  	s7 =	sld [smem:$0x3F9B]  }
0x1a: {  	s8 =	sadd.s32 $0xFFFFE003, lr  }
0x1b: {  	s9 =	sadd.s32 $0xFFFFFEF7, lr;
	s5 =	simm.s32 $0xFFFFFFFF;
	p2 =	slt.u32 s8, $0xFFFFF086  }
0x1c: {  	p1 =	slt.u32 s9, $0xF7A;
	s5 =	simm.s32 @!p2 $0x0  }
0x1d: {  	s5 =	simm.s32 @p1 $0x1;
	p0 =	seq.s32 s7, s2  }
0x1e: {  	s7 =	smul.u32 @!p0 $0xF7A, s2;
	p2 =	seq.s32 @!p0 s5, $0x0  }
0x1f: {  	s9 =	smul.u32 $0xF7A, s1;
	s8 =	simm.s32 @!p0 $0x1BF5;
	p2 =	por !p2, p0  }
0x20: {  	[sflag:s8] =	ssyncset.s32 @!p0 $0xFFFFF086;
	s6 =	sadd.s32 @!p0 s3, s7;
	s7 =	simm.s32 @!p0 $0x108  }
0x21: {  	s3 =	sadd.s32 s3, s9;
	s6 =	sadd.s32 @!p0 $0x88, s6;
	s7 =	simm.s32 @p2 $0x1082  }
0x22: {  	[simem:s7], [sflag:s8] =	dma.local @!p0 [hbm:s6], $0xF7A  }
0x23: {  	s9 =	sor.u32 $0xD0000000, s2;
	s6 =	simm.s32 $0x108;
	_ =	swait.ge @!p0 [sflag:s8], $0x0  }
0x24: {  	s3 =	sadd.s32 $0x88, s3;
	s6 =	simm.s32 @!p1 $0x1082;
	[sflag:s4] =	ssyncset.s32 $0xFFFFF086  }
0x25: {  	[simem:s6], [sflag:s4] =	dma.local [hbm:s3], $0xF7A  }
0x26: {  	[smem:$0x3F9B] =	sst s1;
	(tag) =	ssettag s2;
	_ =	strace s9  }
0x27: {  	s1 =	sld [smem:$0x3FAB]  }
0x28: {  	s2 =	sld [smem:$0x3FAC]  }
0x29: {  	s4 =	sld [smem:$0x3FAE]  }
0x2a: {  	p0 =	seq.s32 s5, $0x0;
	s5 =	sld [smem:$0x3FAF]  }
0x2b: {  	s6 =	sld [smem:$0x3FB0]  }
0x2c: {  	s7 =	sld [smem:$0x3FB1]  }
0x2d: {  	s3 =	simm.s32 $0x108;
	s8 =	sld [smem:$0x3FB2]  }
0x2e: {  	s3 =	simm.s32 @!p0 $0x1082;
	s9 =	sld [smem:$0x3FB3]  }
0x2f: {  	lr =	sadd.s32 s0, s3;
	s0 =	sld [smem:$0x3FAA]  }
0x30: {  	s3 =	sld [smem:$0x3FAD]  }
0x31: {  	[smem:$0x3FB6] =	sst s10  }
0x32: {  	s10 =	sld [smem:$0x3FB4];
	_ =	sdelay $0x3  }
0x33: {  	p0 =	seq.s32 s10, $0x1;
	s10 =	sld [smem:$0x3FB6];
	_ =	sdelay $0x3  }
0x34: {  	[smem:$0x3FB6] =	sst s10  }
0x35: {  	s10 =	sld [smem:$0x3FB5];
	_ =	sdelay $0x3  }
0x36: {  	p1 =	seq.s32 s10, $0x1;
	s10 =	sld [smem:$0x3FB6];
	_ =	sdelay $0x3  }
0x37: {  	[smem:$0x3FB6] =	sst s10  }
0x38: {  	s10 =	sld [smem:$0x3FB7]  }
0x39: {  	_ = 	snop;
	(pc) =	sbr.ind lr, $3  }
0x3a: {  	_ = 	snop  }
0x3b: {  	_ = 	snop  }
0x3c: {  	p2 =	seq.s32 s10, $0x1;
	s10 =	sld [smem:$0x3FB6]  }
0x3d: {  	_ =	shalt  }
0x3e: {  	_ =	shalt  }
0x3f: {  	_ =	shalt  }
0x40: {  	_ =	shalt  }
0x41: {  	_ =	shalt  }
0x42: {  	_ =	shalt  }
0x43: {  	_ =	shalt  }
0x44: {  	_ =	shalt  }
0x45: {  	_ =	shalt  }
0x46: {  	_ =	shalt  }
0x47: {  	_ =	shalt  }
0x48: {  	_ =	shalt  }
0x49: {  	_ =	shalt  }
0x4a: {  	_ =	shalt  }
0x4b: {  	_ =	shalt  }
0x4c: {  	_ =	shalt  }
0x4d: {  	_ =	shalt  }
0x4e: {  	_ =	shalt  }
0x4f: {  	_ =	shalt  }
0x50: {  	_ =	shalt  }
0x51: {  	_ =	shalt  }
0x52: {  	_ =	shalt  }
0x53: {  	_ =	shalt  }
0x54: {  	_ =	shalt  }
0x55: {  	_ =	shalt  }
0x56: {  	_ =	shalt  }
0x57: {  	_ =	shalt  }
0x58: {  	_ =	shalt  }
0x59: {  	_ =	shalt  }
0x5a: {  	_ =	shalt  }
0x5b: {  	_ =	shalt  }
0x5c: {  	_ =	shalt  }
0x5d: {  	_ =	shalt  }
0x5e: {  	_ =	shalt  }
0x5f: {  	_ =	shalt  }
0x60: {  	_ =	shalt  }
0x61: {  	_ =	shalt  }
0x62: {  	_ =	shalt  }
0x63: {  	_ =	shalt  }
0x64: {  	_ =	shalt  }
0x65: {  	_ =	shalt  }
0x66: {  	_ =	shalt  }
0x67: {  	_ =	shalt  }
0x68: {  	_ =	shalt  }
0x69: {  	_ =	shalt  }
0x6a: {  	_ =	shalt  }
0x6b: {  	_ =	shalt  }
0x6c: {  	_ =	shalt  }
0x6d: {  	_ =	shalt  }
0x6e: {  	_ =	shalt  }
0x6f: {  	_ =	shalt  }
0x70: {  	_ =	shalt  }
0x71: {  	_ =	shalt  }
0x72: {  	_ =	shalt  }
0x73: {  	_ =	shalt  }
0x74: {  	_ =	shalt  }
0x75: {  	_ =	shalt  }
0x76: {  	_ =	shalt  }
0x77: {  	_ =	shalt  }
0x78: {  	_ =	shalt  }
0x79: {  	_ =	shalt  }
0x7a: {  	_ =	shalt  }
0x7b: {  	_ =	shalt  }
0x7c: {  	_ =	shalt  }
0x7d: {  	_ =	shalt  }
0x7e: {  	_ =	shalt  }
0x7f: {  	_ =	shalt  }
0x80: {  	_ =	shalt  }
0x81: {  	_ =	shalt  }
0x82: {  	_ =	shalt  }
0x83: {  	_ =	shalt  }
0x84: {  	_ =	shalt  }
0x85: {  	_ =	shalt  }
0x86: {  	_ =	shalt  }
0x87: {  	_ =	shalt  }
.Lfunc_end0:
.L_simem_size_0:
called_computation_lowered:
.L_overlay_start_0:
0x88: {  	s2 =	sld [smem:$0x3FD9]  }
0x89: {  	s3 =	sld [smem:$0x3FFE];
	_ =	sdelay $0x1  }
0x8a: {  	s1 =	srdreg.scid  }
0x8b: {  	s0 =	sand.u32 $0x1, s1  }
0x8c: {  	s14 =	sshll.u32 s0, $0xA;
	s2 =	sadd.s32 s3, s2  }
0x8d: {  	s2 =	sadd.s32 s2, s14  }
0x8e: {  	[smem:$0x3FC2] =	sst s2  }
0x8f: {  	_ = 	snop  }
0x90: {  	s2 =	sld [smem:$0x3FD0];
	_ =	sdelay $0x1  }
0x91: {  	s15 =	sld [smem:$0x3FC9]  }
0x92: {  	s5 =	simm.s32 $0xA;
	s6 =	simm.s32 $0x10;
	s4 =	sld [smem:$0x3FC8]  }
0x93: {  	[smem:s6], [sflag:s5] =	dma.local [hbm:s2], $0x1  }
0x94: {  	_ =	swait.eq [sflag:s5], $0x1  }
0x95: {  	[sflag:s5] =	ssyncset.done $0x0  }
0x96: {  	s16 =	sld [smem:$0x10];
	[sflag:s5] =	ssyncadd.s32 $0xFFFFFFFF  }
0x97: {  	s17 =	sld [smem:$0x11];
	(tm) =	ssettm $0x1  }
0x98: {  	s18 =	sld [smem:$0x3FFB];
	_ =	sdelay $0x3  }
0x99: {  	_ =	strace s18  }
0x9a: {  	s6 =	sld [smem:$0x3FFC];
	_ =	sdelay $0x3  }
0x9b: {  	_ =	strace s6  }
0x9c: {  	s6 =	sld [smem:$0x3FFD];
	_ =	sdelay $0x3  }
0x9d: {  	_ =	strace s6  }
0x9e: {  	_ =	strace $0x8FFFFFFF  }
0x9f: {  	s19 =	sld [smem:$0x3FDB];
	_ =	sdelay $0x1  }
0xa0: {  	s7 =	simm.s32 $_scs_section_size  }
0xa1: {  	s8 =	simm.s32 $_size__tile_overlayer_lowered;
	s9 =	simm.s32 $_tile_overlayer_lowered  }
0xa2: {  	s22 =	simm.s32 $0x1BFF;
	s21 =	sshll.u32 s9, $0x1;
	s6 =	sadd.s32 s7, s19  }
0xa3: {  	s10 =	simm.s32 $0x0;
	s20 =	sshll.u32 s8, $0x1;
	s8 =	sadd.s32 s21, s6  }
0xa4: {  	[timem:s10], [sflag:s22] =	dma.local [hbm:s8], s20  }
0xa5: {  	_ =	swait.ge [sflag:s22], s20  }
0xa6: {  	s7 =	ssub.s32 $0x0, s20;
	[sflag:s22] =	ssyncset.done $0x0  }
0xa7: {  	[sflag:s22] =	ssyncadd.s32 s7;
	_ =	sdelay $0x1  }
0xa8: {  	s23 =	simm.s32 $0x1B8B  }
0xa9: {  	_ =	swait.ge [sflag:s23], $0x1  }
0xaa: {  	[sflag:s23] =	ssyncset.done $0x0  }
0xab: {  	s25 =	simm.s32 $0x1B8E;
	s24 =	sld [smem:$0x3FFE];
	[sflag:s23] =	ssyncadd.s32 $0xFFFFFFFF  }
0xac: {  	s26 =	simm.s32 $execute0_lowered;
	[smem:$0x3FD2] =	sst s25  }
0xad: {  	s8 =	sshll.u32 s26, $0x1;
	_ =	strace $0x80000046;
	[dreg:$0x1] =	wrdreg $0xFFFFFFFF  }
0xae: {  	s28 =	simm.s32 $_size_execute0_lowered;
	s6 =	sadd.s32 s6, s8;
	[dreg:$0x0] =	wrdreg $0x0  }
0xaf: {  	s8 =	sshll.u32 s28, $0x1;
	[dreg:$0x2] =	wrdreg s6  }
0xb0: {  	[dreg:$0x3] =	wrdreg s8  }
0xb1: {  	[dreg:$0x4] =	wrdreg $0xC0  }
0xb2: {  	_ =	task [dreg:s10], $0x5FFFF  }
0xb3: {  	[dreg:$0x1] =	wrdreg $0xFFFFFFFF  }
0xb4: {  	[dreg:$0x0] =	wrdreg $0x60  }
0xb5: {  	[dreg:$0x2] =	wrdreg s15  }
0xb6: {  	[dreg:$0x3] =	wrdreg s4  }
0xb7: {  	[dreg:$0x4] =	wrdreg s16  }
0xb8: {  	[dreg:$0x5] =	wrdreg s17  }
0xb9: {  	[dreg:$0x6] =	wrdreg s24  }
0xba: {  	[dreg:$0x7] =	wrdreg $0x9  }
0xbb: {  	_ =	task.clear_ibuf [dreg:s10], $0x8FFFF;
	_ =	strace $0x90000046  }
0xbc: {  	s29 =	simm.s32 $0x9;
	_ =	strace $0x80000048  }
0xbd: {  	_ =	swait.ge [sflag:s29], $0x1  }
0xbe: {  	[sflag:s29] =	ssyncadd.s32 $0xFFFFFFFF  }
0xbf: {  	_ =	strace $0x90000048  }
0xc0: {  	_ =	sfence  }
0xc1: {  	s30 =	sld [smem:$0x0];
	_ =	sdelay $0x2  }
0xc2: {  	s31 =	sshll.u32 s1, $0xD;
	s1 =	sshrl.u32 s1, $0x2  }
0xc3: {  	s3 =	sand.u32 $0x4000, s31;
	s1 =	sadd.s32 s1, s30  }
0xc4: {  	s0 =	sor.u32 s3, s0;
	s1 =	sshll.u32 s1, $0x11  }
0xc5: {  	s0 =	sor.u32 s1, s0  }
0xc6: {  	s0 =	sadd.s32 $0x8F2B, s0  }
0xc7: {  	[sflag:s0] =	ssyncadd.remote.s32 $0x1  }
0xc8: {  	_ =	sfence.sel $0xFFFF  }
0xc9: {  	[dreg:$0x0] =	wrdreg $0xFFFFFFFF;
	(pc) =	sbr.abs _section_cstart, $3  }
0xca: {  	[dreg:$0x1] =	wrdreg $0xFFFFFFFF  }
0xcb: {  	_ =	task.clear_ibuf [dreg:s10], $0x2FFFF;
	_ =	strace $0x9FFFFFFF  }
0xcc: {  	(tm) =	ssettm $0x7FFFFFFF  }
0xcd: {  	_ =	shalt  }
tec
execute0_lowered:
.L_overlay_start_1:
0x0: {  	(tag) =	ssettag $0x1  }
0x1: {  	s7 =	rddreg [dreg:$0x0]  }
0x2: {  	s8 =	rddreg [dreg:$0x1]  }
0x3: {  	s5 =	rddreg [dreg:$0x2]  }
0x4: {  	s6 =	rddreg [dreg:$0x3]  }
0x5: {  	s4 =	rddreg [dreg:$0x4]  }
0x6: {  	s0 =	rddreg [dreg:$0x5];
	s1 =	simm.s32 $0x0  }
0x7: {  	s9 =	srdreg.scid;
	s2 =	stileid.u32;
	s13 =	simm.s32 $0x4100  }
0x8: {  	s14 =	simm.s32 $0x900;
	s15 =	simm.s32 $0x1100;
	s16 =	simm.s32 $0x1900  }
0x9: {  	s17 =	simm.s32 $0x2100;
	s18 =	simm.s32 $0x2900;
	s19 =	simm.s32 $0x3100  }
0xa: {  	s20 =	simm.s32 $0x3900;
	s21 =	simm.s32 $0x1;
	s22 =	simm.s32 $0x4900  }
0xb: {  	s23 =	simm.s32 $0x5100;
	s24 =	simm.s32 $0x5900;
	s25 =	simm.s32 $0x6100  }
0xc: {  	s26 =	simm.s32 $0x6900;
	s28 =	simm.s32 $0x7100;
	s29 =	simm.s32 $0x7900  }
0xd: {  	[smem:$0x7FF] =	sst s1;
	s3 =	sadd.s32 $0xC00, s4;
	s9 =	sand.u32 $0x1, s9  }
0xe: {  	s11 =	sshll.u32 s2, $0x7;
	s10 =	ssub.s32 $0x2, s9;
	s9 =	sshll.u32 s9, $0x6  }
0xf: {  	s4 =	sadd.s32 $0x40C00, s4;
	s12 =	sshrl.u32 s10, $0x1;
	s9 =	sor.u32 s9, s11  }
0x10: {  	_ =	strace $0x80000047;
	s10 =	ssub.s32 s10, s12;
	s11 =	sshrl.u32 s9, $0x3  }
0x11: {  	v2 =	vlaneseq.u32;
	s9 =	sshll.u32 s9, $0x5;
	s12 =	simm.s32 $0x100;
	s5 =	sadd.s32 s5, s11  }
0x12: {  	vm0 =	vmmov $0xffff;
	v1 =	vshrl.u32 v2, $0x3;
	s6 =	sadd.s32 s6, s11;
	s7 =	sadd.s32 s7, s9;
	s8 =	sadd.s32 s8, s9  }
0x13: {  	v0 =	vand.u32 $0x7, v2;
	v2 =	vor.u32 $0x8, v2;
	v1 =	vmul.u32 $0x8, v1;
	s9 =	smax.u32 s10, $0x1;
	s10 =	simm.s32 $0x2;
	s11 =	simm.s32 $0x80  }
.LBB2_1:
0x14: {  	[tilespmem:s1], [sflag:$0x2] =	stream.linear.gather [hbm4b:s5+s1], $0x40, $0x38;
	[tilespmem:$0x8100] =	vst v63  }
0x15: {  	_ =	swait.ge [sflag:s10], $0x40  }
0x16: {  	[sflag:s10] =	ssyncset.done $0x0  }
0x17: {  	[sflag:s10] =	ssyncadd.s32 $0xFFFFFFC0  }
0x18: {  	[tilespmem:s11], [sflag:$0x2] =	stream.linear.gather [hbm4b:s6+s1], $0x40, $0x38;
	[tilespmem:$0x8100] =	vst v63  }
0x19: {  	_ =	swait.ge [sflag:s10], $0x40  }
0x1a: {  	[sflag:s10] =	ssyncset.done $0x0  }
0x1b: {  	[sflag:s10] =	ssyncadd.s32 $0xFFFFFFC0  }
0x1c: {  	[tilespmem:s12], [sflag:$0x2] =	stream.linear.gather [hbm4b:s7+s1], $0x4000, $0x38;
	[tilespmem:$0x8100] =	vst v63  }
0x1d: {  	_ =	swait.ge [sflag:s10], $0x4000  }
0x1e: {  	[sflag:s10] =	ssyncset.done $0x0  }
0x1f: {  	[sflag:s10] =	ssyncadd.s32 $0xFFFFC000  }
0x20: {  	[tilespmem:s13], [sflag:$0x2] =	stream.linear.gather [hbm4b:s8+s1], $0x4000, $0x38;
	[tilespmem:$0x8100] =	vst v63  }
0x21: {  	_ =	swait.ge [sflag:s10], $0x4000  }
0x22: {  	[sflag:s10] =	ssyncset.done $0x0  }
0x23: {  	[sflag:s10] =	ssyncadd.s32 $0xFFFFC000  }
0x24: {  	v3 =	vld [tilespmem:$0x0];
	_ =	sdelay $0x4  }
0x25: {  	v4 =	vshll.u32 v3, $0x1  }
0x26: {  	v3 =	vand.u32 $0x7, v3;
	v4 =	vand.u32 $0xFFFFFFF0, v4  }
0x27: {  	v3 =	vor.u32 v3, v4  }
0x28: {  	v4 =	vperm.xlane v3, v0;
	_ =	sdelay $0x1  }
0x29: {  	v3 =	vperm.xlane v3, v2;
	v4 =	vadd.s32 v1, v4;
	_ =	sdelay $0x1  }
0x2a: {  	v3 =	vadd.s32 v1, v3;
	_ =	sdelay $0x2  }
0x2b: {  	[hbm4b:s3+s1] =	stream.indirect_vreg.scatter [tilespmem:s12], [sflag:$0x1], $0x80, v4, vm0, $0xb8;
	[tilespmem:$0x8100] =	vst v63  }
0x2c: {  	_ = 	snop  }
0x2d: {  	[hbm4b:s3+s1] =	stream.indirect_vreg.scatter [tilespmem:s14], [sflag:$0x1], $0x80, v3, vm0, $0xb8;
	[tilespmem:$0x8100] =	vst v63  }
0x2e: {  	v3 =	vld [tilespmem:$0x10];
	_ =	sdelay $0x4  }
0x2f: {  	v49 =	vshll.u32 v3, $0x1  }
0x30: {  	v3 =	vand.u32 $0x7, v3;
	v4 =	vand.u32 $0xFFFFFFF0, v49  }
0x31: {  	v3 =	vor.u32 v3, v4  }
0x32: {  	v4 =	vperm.xlane v3, v0;
	_ =	sdelay $0x1  }
0x33: {  	v3 =	vperm.xlane v3, v2;
	v4 =	vadd.s32 v1, v4;
	_ =	sdelay $0x1  }
0x34: {  	v3 =	vadd.s32 v1, v3;
	_ =	sdelay $0x2  }
0x35: {  	[hbm4b:s3+s1] =	stream.indirect_vreg.scatter [tilespmem:s15], [sflag:$0x1], $0x80, v4, vm0, $0xb8;
	[tilespmem:$0x8100] =	vst v63  }
0x36: {  	_ = 	snop  }
0x37: {  	[hbm4b:s3+s1] =	stream.indirect_vreg.scatter [tilespmem:s16], [sflag:$0x1], $0x80, v3, vm0, $0xb8;
	[tilespmem:$0x8100] =	vst v63  }
0x38: {  	v3 =	vld [tilespmem:$0x20];
	_ =	sdelay $0x4  }
0x39: {  	v50 =	vshll.u32 v3, $0x1  }
0x3a: {  	v3 =	vand.u32 $0x7, v3;
	v4 =	vand.u32 $0xFFFFFFF0, v50  }
0x3b: {  	v3 =	vor.u32 v3, v4  }
0x3c: {  	v4 =	vperm.xlane v3, v0;
	_ =	sdelay $0x1  }
0x3d: {  	v3 =	vperm.xlane v3, v2;
	v4 =	vadd.s32 v1, v4;
	_ =	sdelay $0x1  }
0x3e: {  	v3 =	vadd.s32 v1, v3;
	_ =	sdelay $0x2  }
0x3f: {  	[hbm4b:s3+s1] =	stream.indirect_vreg.scatter [tilespmem:s17], [sflag:$0x1], $0x80, v4, vm0, $0xb8;
	[tilespmem:$0x8100] =	vst v63  }
0x40: {  	_ = 	snop  }
0x41: {  	[hbm4b:s3+s1] =	stream.indirect_vreg.scatter [tilespmem:s18], [sflag:$0x1], $0x80, v3, vm0, $0xb8;
	[tilespmem:$0x8100] =	vst v63  }
0x42: {  	v3 =	vld [tilespmem:$0x30];
	_ =	sdelay $0x4  }
0x43: {  	v51 =	vshll.u32 v3, $0x1  }
0x44: {  	v3 =	vand.u32 $0x7, v3;
	v4 =	vand.u32 $0xFFFFFFF0, v51  }
0x45: {  	v3 =	vor.u32 v3, v4  }
0x46: {  	v4 =	vperm.xlane v3, v0;
	_ =	sdelay $0x1  }
0x47: {  	v3 =	vperm.xlane v3, v2;
	v4 =	vadd.s32 v1, v4;
	_ =	sdelay $0x1  }
0x48: {  	v3 =	vadd.s32 v1, v3;
	_ =	sdelay $0x2  }
0x49: {  	[hbm4b:s3+s1] =	stream.indirect_vreg.scatter [tilespmem:s19], [sflag:$0x1], $0x80, v4, vm0, $0xb8;
	[tilespmem:$0x8100] =	vst v63  }
0x4a: {  	_ = 	snop  }
0x4b: {  	[hbm4b:s3+s1] =	stream.indirect_vreg.scatter [tilespmem:s20], [sflag:$0x1], $0x80, v3, vm0, $0xb8;
	[tilespmem:$0x8100] =	vst v63  }
0x4c: {  	_ =	swait.ge [sflag:s21], $0x4000  }
0x4d: {  	[sflag:s21] =	ssyncset.done $0x0  }
0x4e: {  	[sflag:s21] =	ssyncadd.s32 $0xFFFFC000  }
0x4f: {  	v3 =	vld [tilespmem:$0x80];
	_ =	sdelay $0x4  }
0x50: {  	v52 =	vshll.u32 v3, $0x1  }
0x51: {  	v3 =	vand.u32 $0x7, v3;
	v4 =	vand.u32 $0xFFFFFFF0, v52  }
0x52: {  	v3 =	vor.u32 v3, v4  }
0x53: {  	v4 =	vperm.xlane v3, v0;
	_ =	sdelay $0x1  }
0x54: {  	v3 =	vperm.xlane v3, v2;
	v4 =	vadd.s32 v1, v4;
	_ =	sdelay $0x1  }
0x55: {  	v3 =	vadd.s32 v1, v3;
	_ =	sdelay $0x2  }
0x56: {  	[hbm4b:s3+s1] =	stream.indirect_vreg.scatter [tilespmem:s12], [sflag:$0x1], $0x80, v4, vm0, $0xb8;
	[tilespmem:$0x8100] =	vst v63  }
0x57: {  	_ = 	snop  }
0x58: {  	[hbm4b:s3+s1] =	stream.indirect_vreg.scatter [tilespmem:s14], [sflag:$0x1], $0x80, v3, vm0, $0xb8;
	[tilespmem:$0x8100] =	vst v63  }
0x59: {  	v3 =	vld [tilespmem:$0x90];
	_ =	sdelay $0x4  }
0x5a: {  	v53 =	vshll.u32 v3, $0x1  }
0x5b: {  	v3 =	vand.u32 $0x7, v3;
	v4 =	vand.u32 $0xFFFFFFF0, v53  }
0x5c: {  	v3 =	vor.u32 v3, v4  }
0x5d: {  	v4 =	vperm.xlane v3, v0;
	_ =	sdelay $0x1  }
0x5e: {  	v3 =	vperm.xlane v3, v2;
	v4 =	vadd.s32 v1, v4;
	_ =	sdelay $0x1  }
0x5f: {  	v3 =	vadd.s32 v1, v3;
	_ =	sdelay $0x2  }
0x60: {  	[hbm4b:s3+s1] =	stream.indirect_vreg.scatter [tilespmem:s15], [sflag:$0x1], $0x80, v4, vm0, $0xb8;
	[tilespmem:$0x8100] =	vst v63  }
0x61: {  	_ = 	snop  }
0x62: {  	[hbm4b:s3+s1] =	stream.indirect_vreg.scatter [tilespmem:s16], [sflag:$0x1], $0x80, v3, vm0, $0xb8;
	[tilespmem:$0x8100] =	vst v63  }
0x63: {  	v3 =	vld [tilespmem:$0xA0];
	_ =	sdelay $0x4  }
0x64: {  	v54 =	vshll.u32 v3, $0x1  }
0x65: {  	v3 =	vand.u32 $0x7, v3;
	v4 =	vand.u32 $0xFFFFFFF0, v54  }
0x66: {  	v3 =	vor.u32 v3, v4  }
0x67: {  	v4 =	vperm.xlane v3, v0;
	_ =	sdelay $0x1  }
0x68: {  	v3 =	vperm.xlane v3, v2;
	v4 =	vadd.s32 v1, v4;
	_ =	sdelay $0x1  }
0x69: {  	v3 =	vadd.s32 v1, v3;
	_ =	sdelay $0x2  }
0x6a: {  	[hbm4b:s3+s1] =	stream.indirect_vreg.scatter [tilespmem:s17], [sflag:$0x1], $0x80, v4, vm0, $0xb8;
	[tilespmem:$0x8100] =	vst v63  }
0x6b: {  	_ = 	snop  }
0x6c: {  	[hbm4b:s3+s1] =	stream.indirect_vreg.scatter [tilespmem:s18], [sflag:$0x1], $0x80, v3, vm0, $0xb8;
	[tilespmem:$0x8100] =	vst v63  }
0x6d: {  	v3 =	vld [tilespmem:$0xB0];
	_ =	sdelay $0x4  }
0x6e: {  	v55 =	vshll.u32 v3, $0x1  }
0x6f: {  	v3 =	vand.u32 $0x7, v3;
	v4 =	vand.u32 $0xFFFFFFF0, v55  }
0x70: {  	v3 =	vor.u32 v3, v4  }
0x71: {  	v4 =	vperm.xlane v3, v0;
	_ =	sdelay $0x1  }
0x72: {  	v3 =	vperm.xlane v3, v2;
	v4 =	vadd.s32 v1, v4;
	_ =	sdelay $0x1  }
0x73: {  	v3 =	vadd.s32 v1, v3;
	_ =	sdelay $0x2  }
0x74: {  	[hbm4b:s3+s1] =	stream.indirect_vreg.scatter [tilespmem:s19], [sflag:$0x1], $0x80, v4, vm0, $0xb8;
	[tilespmem:$0x8100] =	vst v63  }
0x75: {  	_ = 	snop  }
0x76: {  	[hbm4b:s3+s1] =	stream.indirect_vreg.scatter [tilespmem:s20], [sflag:$0x1], $0x80, v3, vm0, $0xb8;
	[tilespmem:$0x8100] =	vst v63  }
0x77: {  	_ =	swait.ge [sflag:s21], $0x4000  }
0x78: {  	[sflag:s21] =	ssyncset.done $0x0  }
0x79: {  	[sflag:s21] =	ssyncadd.s32 $0xFFFFC000  }
0x7a: {  	v3 =	vld [tilespmem:$0x0];
	_ =	sdelay $0x4  }
0x7b: {  	v56 =	vshll.u32 v3, $0x1  }
0x7c: {  	v3 =	vand.u32 $0x7, v3;
	v4 =	vand.u32 $0xFFFFFFF0, v56  }
0x7d: {  	v3 =	vor.u32 v3, v4  }
0x7e: {  	v4 =	vperm.xlane v3, v0;
	_ =	sdelay $0x1  }
0x7f: {  	v3 =	vperm.xlane v3, v2;
	v4 =	vadd.s32 v1, v4;
	_ =	sdelay $0x1  }
0x80: {  	v3 =	vadd.s32 v1, v3;
	_ =	sdelay $0x2  }
0x81: {  	[hbm4b:s4+s1] =	stream.indirect_vreg.scatter [tilespmem:s13], [sflag:$0x1], $0x80, v4, vm0, $0xb8;
	[tilespmem:$0x8100] =	vst v63  }
0x82: {  	_ = 	snop  }
0x83: {  	[hbm4b:s4+s1] =	stream.indirect_vreg.scatter [tilespmem:s22], [sflag:$0x1], $0x80, v3, vm0, $0xb8;
	[tilespmem:$0x8100] =	vst v63  }
0x84: {  	v3 =	vld [tilespmem:$0x10];
	_ =	sdelay $0x4  }
0x85: {  	v57 =	vshll.u32 v3, $0x1  }
0x86: {  	v3 =	vand.u32 $0x7, v3;
	v4 =	vand.u32 $0xFFFFFFF0, v57  }
0x87: {  	v3 =	vor.u32 v3, v4  }
0x88: {  	v4 =	vperm.xlane v3, v0;
	_ =	sdelay $0x1  }
0x89: {  	v3 =	vperm.xlane v3, v2;
	v4 =	vadd.s32 v1, v4;
	_ =	sdelay $0x1  }
0x8a: {  	v3 =	vadd.s32 v1, v3;
	_ =	sdelay $0x2  }
0x8b: {  	[hbm4b:s4+s1] =	stream.indirect_vreg.scatter [tilespmem:s23], [sflag:$0x1], $0x80, v4, vm0, $0xb8;
	[tilespmem:$0x8100] =	vst v63  }
0x8c: {  	_ = 	snop  }
0x8d: {  	[hbm4b:s4+s1] =	stream.indirect_vreg.scatter [tilespmem:s24], [sflag:$0x1], $0x80, v3, vm0, $0xb8;
	[tilespmem:$0x8100] =	vst v63  }
0x8e: {  	v3 =	vld [tilespmem:$0x20];
	_ =	sdelay $0x4  }
0x8f: {  	v58 =	vshll.u32 v3, $0x1  }
0x90: {  	v3 =	vand.u32 $0x7, v3;
	v4 =	vand.u32 $0xFFFFFFF0, v58  }
0x91: {  	v3 =	vor.u32 v3, v4  }
0x92: {  	v4 =	vperm.xlane v3, v0;
	_ =	sdelay $0x1  }
0x93: {  	v3 =	vperm.xlane v3, v2;
	v4 =	vadd.s32 v1, v4;
	_ =	sdelay $0x1  }
0x94: {  	v3 =	vadd.s32 v1, v3;
	_ =	sdelay $0x2  }
0x95: {  	[hbm4b:s4+s1] =	stream.indirect_vreg.scatter [tilespmem:s25], [sflag:$0x1], $0x80, v4, vm0, $0xb8;
	[tilespmem:$0x8100] =	vst v63  }
0x96: {  	_ = 	snop  }
0x97: {  	[hbm4b:s4+s1] =	stream.indirect_vreg.scatter [tilespmem:s26], [sflag:$0x1], $0x80, v3, vm0, $0xb8;
	[tilespmem:$0x8100] =	vst v63  }
0x98: {  	v3 =	vld [tilespmem:$0x30];
	_ =	sdelay $0x4  }
0x99: {  	v59 =	vshll.u32 v3, $0x1  }
0x9a: {  	v3 =	vand.u32 $0x7, v3;
	v4 =	vand.u32 $0xFFFFFFF0, v59  }
0x9b: {  	v3 =	vor.u32 v3, v4  }
0x9c: {  	v4 =	vperm.xlane v3, v0;
	_ =	sdelay $0x1  }
0x9d: {  	v3 =	vperm.xlane v3, v2;
	v4 =	vadd.s32 v1, v4;
	_ =	sdelay $0x1  }
0x9e: {  	v3 =	vadd.s32 v1, v3;
	_ =	sdelay $0x2  }
0x9f: {  	[hbm4b:s4+s1] =	stream.indirect_vreg.scatter [tilespmem:s28], [sflag:$0x1], $0x80, v4, vm0, $0xb8;
	[tilespmem:$0x8100] =	vst v63  }
0xa0: {  	_ = 	snop  }
0xa1: {  	[hbm4b:s4+s1] =	stream.indirect_vreg.scatter [tilespmem:s29], [sflag:$0x1], $0x80, v3, vm0, $0xb8;
	[tilespmem:$0x8100] =	vst v63  }
0xa2: {  	_ =	swait.ge [sflag:s21], $0x4000  }
0xa3: {  	[sflag:s21] =	ssyncset.done $0x0  }
0xa4: {  	[sflag:s21] =	ssyncadd.s32 $0xFFFFC000  }
0xa5: {  	v3 =	vld [tilespmem:$0x80];
	_ =	sdelay $0x4  }
0xa6: {  	v60 =	vshll.u32 v3, $0x1  }
0xa7: {  	v3 =	vand.u32 $0x7, v3;
	v4 =	vand.u32 $0xFFFFFFF0, v60  }
0xa8: {  	v3 =	vor.u32 v3, v4  }
0xa9: {  	v4 =	vperm.xlane v3, v0;
	_ =	sdelay $0x1  }
0xaa: {  	v3 =	vperm.xlane v3, v2;
	v4 =	vadd.s32 v1, v4;
	_ =	sdelay $0x1  }
0xab: {  	v3 =	vadd.s32 v1, v3;
	_ =	sdelay $0x2  }
0xac: {  	[hbm4b:s4+s1] =	stream.indirect_vreg.scatter [tilespmem:s13], [sflag:$0x1], $0x80, v4, vm0, $0xb8;
	[tilespmem:$0x8100] =	vst v63  }
0xad: {  	_ = 	snop  }
0xae: {  	[hbm4b:s4+s1] =	stream.indirect_vreg.scatter [tilespmem:s22], [sflag:$0x1], $0x80, v3, vm0, $0xb8;
	[tilespmem:$0x8100] =	vst v63  }
0xaf: {  	v3 =	vld [tilespmem:$0x90];
	_ =	sdelay $0x4  }
0xb0: {  	v61 =	vshll.u32 v3, $0x1  }
0xb1: {  	v3 =	vand.u32 $0x7, v3;
	v4 =	vand.u32 $0xFFFFFFF0, v61  }
0xb2: {  	v3 =	vor.u32 v3, v4  }
0xb3: {  	v4 =	vperm.xlane v3, v0;
	_ =	sdelay $0x1  }
0xb4: {  	v3 =	vperm.xlane v3, v2;
	v4 =	vadd.s32 v1, v4;
	_ =	sdelay $0x1  }
0xb5: {  	v3 =	vadd.s32 v1, v3;
	_ =	sdelay $0x2  }
0xb6: {  	[hbm4b:s4+s1] =	stream.indirect_vreg.scatter [tilespmem:s23], [sflag:$0x1], $0x80, v4, vm0, $0xb8;
	[tilespmem:$0x8100] =	vst v63  }
0xb7: {  	_ = 	snop  }
0xb8: {  	[hbm4b:s4+s1] =	stream.indirect_vreg.scatter [tilespmem:s24], [sflag:$0x1], $0x80, v3, vm0, $0xb8;
	[tilespmem:$0x8100] =	vst v63  }
0xb9: {  	v3 =	vld [tilespmem:$0xA0];
	_ =	sdelay $0x4  }
0xba: {  	v62 =	vshll.u32 v3, $0x1  }
0xbb: {  	v3 =	vand.u32 $0x7, v3;
	v4 =	vand.u32 $0xFFFFFFF0, v62  }
0xbc: {  	v3 =	vor.u32 v3, v4  }
0xbd: {  	v4 =	vperm.xlane v3, v0;
	_ =	sdelay $0x1  }
0xbe: {  	v3 =	vperm.xlane v3, v2;
	v4 =	vadd.s32 v1, v4;
	_ =	sdelay $0x1  }
0xbf: {  	v3 =	vadd.s32 v1, v3;
	_ =	sdelay $0x2  }
0xc0: {  	[hbm4b:s4+s1] =	stream.indirect_vreg.scatter [tilespmem:s25], [sflag:$0x1], $0x80, v4, vm0, $0xb8;
	[tilespmem:$0x8100] =	vst v63  }
0xc1: {  	_ = 	snop  }
0xc2: {  	[hbm4b:s4+s1] =	stream.indirect_vreg.scatter [tilespmem:s26], [sflag:$0x1], $0x80, v3, vm0, $0xb8;
	[tilespmem:$0x8100] =	vst v63  }
0xc3: {  	v3 =	vld [tilespmem:$0xB0];
	_ =	sdelay $0x4  }
0xc4: {  	v63 =	vshll.u32 v3, $0x1  }
0xc5: {  	v3 =	vand.u32 $0x7, v3;
	v4 =	vand.u32 $0xFFFFFFF0, v63  }
0xc6: {  	v3 =	vor.u32 v3, v4  }
0xc7: {  	v4 =	vperm.xlane v3, v0;
	_ =	sdelay $0x1  }
0xc8: {  	v3 =	vperm.xlane v3, v2;
	v4 =	vadd.s32 v1, v4;
	_ =	sdelay $0x1  }
0xc9: {  	v3 =	vadd.s32 v1, v3;
	_ =	sdelay $0x1  }
0xca: {  	p0 =	sne.s32 s9, $0x1  }
0xcb: {  	[hbm4b:s4+s1] =	stream.indirect_vreg.scatter [tilespmem:s28], [sflag:$0x1], $0x80, v4, vm0, $0xb8;
	[tilespmem:$0x8100] =	vst v63  }
.Ltmp0:
0xcc: {  	_ = 	snop;
	(pc) =	sbr.rel @p0 .LBB2_1-.Ltmp0, $4  }
0xcd: {  	[hbm4b:s4+s1] =	stream.indirect_vreg.scatter [tilespmem:s29], [sflag:$0x1], $0x80, v3, vm0, $0xb8;
	[tilespmem:$0x8100] =	vst v63  }
0xce: {  	_ =	swait.ge [sflag:s21], $0x4000  }
0xcf: {  	[sflag:s21] =	ssyncset.done $0x0  }
0xd0: {  	s9 =	sadd.s32 $0xFFFFFFFF, s9;
	[sflag:s21] =	ssyncadd.s32 $0xFFFFC000  }
0xd1: {  	_ =	sfence.sel $0x180000  }
0xd2: {  	[bflag:$0x0] =	sbarrier.arrive $0xFFFF  }
0xd3: {  	p0 =	sne.s32 s2, $0x0;
	_ =	strace $0x90000047  }
0xd4: {  	s0 =	sadd.s32 @!p0 $0x100000, s0;
	[bflag:$0x2] =	sbarrier.arrive $0xFFFF  }
0xd5: {  	[sflag:s0] =	ssyncadd.tile.s32 @!p0 $0x1;
	_ =	shalt  }
.Lfunc_end2:
_tile_overlayer_lowered:
.L_overlay_start_2:
0xd6: {  	(tag) =	ssettag $0x2  }
0xd7: {  	s0 =	rddreg [dreg:$0x0];
	s2 =	stileid.u32  }
0xd8: {  	s1 =	rddreg [dreg:$0x1];
	p0 =	sne.s32 s2, $0x0  }
0xd9: {  	s3 =	rddreg [dreg:$0x2];
	[bflag:$0x3] =	sbarrier.arrive $0xFFFF;
	s2 =	simm.s32 @!p0 $0x1C02  }
0xda: {  	[timem:s3], [sflag:s2] =	dma.local @!p0 [hbm:s0], s1  }
0xdb: {  	s0 =	simm.s32 @!p0 $0x2  }
0xdc: {  	_ =	swait.ge @!p0 [sflag:s0], s1  }
0xdd: {  	s1 =	ssub.s32 @!p0 $0x0, s1;
	[sflag:s0] =	ssyncset.done @!p0 $0x0  }
0xde: {  	[sflag:s0] =	ssyncadd.s32 @!p0 s1  }
0xdf: {  	[bflag:$0x3] =	sbarrier.arrive $0xFFFF  }
0xe0: {  	_ =	shalt  }

</sc_bundles>
